<compile_context>
chip_gen: v7x
topology: tpu7x:2x2x1
jax: 0.10.2.dev20260603
libtpu: 0.0.44.dev20260713+nightly
codegen_flags: <defaults>
</compile_context>

<pallas_src>
import jax
import jax.numpy as jnp
from jax.experimental import pallas as pl
from jax.experimental.pallas import tpu as pltpu

N_BOXES = 20000
NUM_CLASSES = 90
MIN_SCORE = 0.05
IOU_THRESHOLD = 0.5
MAX_DET = 200
TOP_K = 2000
NMS_ITERS = 5

_ROW_CHUNK = 400


def _score_body(cls_ref, conf_ref, class_ref):
    s = jax.nn.sigmoid(cls_ref[...])
    conf = jnp.max(s, axis=1, keepdims=True)
    lane = jax.lax.broadcasted_iota(jnp.int32, s.shape, 1)
    cls_idx = jnp.min(jnp.where(s == conf, lane, NUM_CLASSES), axis=1,
                      keepdims=True)
    conf_ref[...] = jnp.where(conf >= MIN_SCORE, conf, -1.0)
    class_ref[...] = cls_idx


_SCORE_BLOCK = 2000


def _scores(cls_outputs):
    return pl.pallas_call(
        _score_body,
        grid=(N_BOXES // _SCORE_BLOCK,),
        in_specs=[pl.BlockSpec((_SCORE_BLOCK, NUM_CLASSES), lambda i: (i, 0))],
        out_specs=[
            pl.BlockSpec((_SCORE_BLOCK, 1), lambda i: (i, 0)),
            pl.BlockSpec((_SCORE_BLOCK, 1), lambda i: (i, 0)),
        ],
        out_shape=[
            jax.ShapeDtypeStruct((N_BOXES, 1), jnp.float32),
            jax.ShapeDtypeStruct((N_BOXES, 1), jnp.int32),
        ],
    )(cls_outputs)


def _nms_body(codes_ref, anch_ref, codes_t_ref, anch_t_ref, conf_ref,
              conf_t_ref, clsp1_ref, sz_ref, sz_t_ref, scale_ref,
              det_ref, m_ref):
    anch = anch_ref[...]
    codes = codes_ref[...]
    ycenter_a = (anch[:, 0:1] + anch[:, 2:3]) / 2.0
    xcenter_a = (anch[:, 1:2] + anch[:, 3:4]) / 2.0
    ha = anch[:, 2:3] - anch[:, 0:1]
    wa = anch[:, 3:4] - anch[:, 1:2]
    ty = codes[:, 0:1]
    tx = codes[:, 1:2]
    th = codes[:, 2:3]
    tw = codes[:, 3:4]
    w = jnp.exp(tw) * wa
    h = jnp.exp(th) * ha
    yc = ty * ha + ycenter_a
    xc = tx * wa + xcenter_a
    b = jnp.concatenate(
        [xc - w / 2.0, yc - h / 2.0, xc + w / 2.0, yc + h / 2.0], axis=1)
    b = jnp.minimum(jnp.maximum(b, 0.0), sz_ref[...])
    x0 = b[:, 0:1]
    y0 = b[:, 1:2]
    x1 = b[:, 2:3]
    y1 = b[:, 3:4]
    area = (x1 - x0) * (y1 - y0)
    cx = (x0 + x1) / 2.0
    cy = (y0 + y1) / 2.0

    anch_t = anch_t_ref[...]
    codes_t = codes_t_ref[...]
    ycenter_at = (anch_t[0:1, :] + anch_t[2:3, :]) / 2.0
    xcenter_at = (anch_t[1:2, :] + anch_t[3:4, :]) / 2.0
    hat = anch_t[2:3, :] - anch_t[0:1, :]
    wat = anch_t[3:4, :] - anch_t[1:2, :]
    tyt = codes_t[0:1, :]
    txt = codes_t[1:2, :]
    tht = codes_t[2:3, :]
    twt = codes_t[3:4, :]
    wt = jnp.exp(twt) * wat
    ht = jnp.exp(tht) * hat
    yct = tyt * hat + ycenter_at
    xct = txt * wat + xcenter_at
    bt = jnp.concatenate(
        [xct - wt / 2.0, yct - ht / 2.0, xct + wt / 2.0, yct + ht / 2.0],
        axis=0)
    bt = jnp.minimum(jnp.maximum(bt, 0.0), sz_t_ref[...])
    x0t = bt[0:1, :]
    y0t = bt[1:2, :]
    x1t = bt[2:3, :]
    y1t = bt[3:4, :]
    area_t = (x1t - x0t) * (y1t - y0t)
    cxt = (x0t + x1t) / 2.0
    cyt = (y0t + y1t) / 2.0

    R = _ROW_CHUNK
    cols = jax.lax.broadcasted_iota(jnp.int32, (R, TOP_K), 1)
    rows_base = jax.lax.broadcasted_iota(jnp.int32, (R, TOP_K), 0)

    for i in range(TOP_K // R):
        r0 = i * R
        x0i = x0[r0:r0 + R, :]
        y0i = y0[r0:r0 + R, :]
        x1i = x1[r0:r0 + R, :]
        y1i = y1[r0:r0 + R, :]
        ai = area[r0:r0 + R, :]
        cxi = cx[r0:r0 + R, :]
        cyi = cy[r0:r0 + R, :]
        wx = jnp.maximum(jnp.minimum(x1i, x1t) - jnp.maximum(x0i, x0t), 0.0)
        wy = jnp.maximum(jnp.minimum(y1i, y1t) - jnp.maximum(y0i, y0t), 0.0)
        inter = wx * wy
        union = ai + area_t - inter
        iou = inter / jnp.maximum(union, 1e-8)
        d2 = (cxi - cxt) ** 2 + (cyi - cyt) ** 2
        ex = jnp.maximum(x1i, x1t) - jnp.minimum(x0i, x0t)
        ey = jnp.maximum(y1i, y1t) - jnp.minimum(y0i, y0t)
        c2 = ex ** 2 + ey ** 2
        d = iou - d2 / jnp.maximum(c2, 1e-8)
        rows = rows_base + r0
        m_ref[r0:r0 + R, :] = jnp.where(rows < cols, d, 0.0)

    m = m_ref[...]
    e_col = jnp.ones((TOP_K, 1), jnp.float32)
    for _ in range(NMS_ITERS):
        max_row = jnp.max(m * e_col, axis=0, keepdims=True)
        e_col = jnp.transpose(
            (max_row <= IOU_THRESHOLD).astype(jnp.float32))
    max_row = jnp.max(m * e_col, axis=0, keepdims=True)
    keep_row = jnp.logical_and(max_row <= IOU_THRESHOLD,
                               conf_t_ref[...] >= MIN_SCORE)

    kf = keep_row.astype(jnp.float32)
    tri = jnp.where(
        jax.lax.broadcasted_iota(jnp.int32, (TOP_K, TOP_K), 0)
        <= jax.lax.broadcasted_iota(jnp.int32, (TOP_K, TOP_K), 1),
        1.0, 0.0)
    pos = jax.lax.dot_general(
        kf, tri, (((1,), (0,)), ((), ())),
        preferred_element_type=jnp.float32) - 1.0
    pos_i = pos.astype(jnp.int32)
    slot = jax.lax.broadcasted_iota(jnp.int32, (MAX_DET, TOP_K), 0)
    onehot = jnp.where(jnp.logical_and(slot == pos_i, keep_row), 1.0, 0.0)
    s = scale_ref[...]
    det_rows = jnp.concatenate(
        [x0 * s, y0 * s, (x1 - x0) * s, (y1 - y0) * s,
         conf_ref[...], clsp1_ref[...]], axis=1)
    det_ref[...] = jax.lax.dot_general(
        onehot, det_rows, (((1,), (0,)), ((), ())),
        precision=jax.lax.Precision.HIGHEST,
        preferred_element_type=jnp.float32)


def _nms(codes, anch, conf, clsp1, sz, scale):
    return pl.pallas_call(
        _nms_body,
        out_shape=jax.ShapeDtypeStruct((MAX_DET, 6), jnp.float32),
        scratch_shapes=[
            pltpu.VMEM((TOP_K, TOP_K), jnp.float32),
        ],
        compiler_params=pltpu.CompilerParams(
            vmem_limit_bytes=100 * 1024 * 1024),
    )(codes, anch, codes.T, anch.T, conf, conf.T, clsp1, sz, sz.T, scale)


def kernel(cls_outputs, box_outputs, anchor_boxes, indices, img_scale, img_size):
    conf_m, classes = _scores(cls_outputs.astype(jnp.float32))
    conf_m = conf_m.reshape(N_BOXES)

    c, order = jax.lax.top_k(conf_m, TOP_K)

    codes = box_outputs.astype(jnp.float32)[order]
    anch = anchor_boxes[indices[order]]
    clsp1 = (classes.reshape(N_BOXES)[order] + 1).astype(jnp.float32)

    size = img_size / img_scale
    sz = jnp.concatenate([size, size], axis=0).reshape(1, 4)

    return _nms(codes, anch, c.reshape(TOP_K, 1), clsp1.reshape(TOP_K, 1),
                sz, img_scale.reshape(1, 1))

# --- scband reference (transcript-rebuilt; emitter-appended) ---
"""Pipeline reference for scband-det-bench-train-50586124812873 (READ-ONLY COPY).

The authoritative reference and input builder live on the scoring server;
editing this copy changes nothing except your own understanding.
"""

import jax, jax.numpy as jnp
import numpy as np

N_BOXES = 20000
NUM_CLASSES = 90
MIN_SCORE = 0.05
IOU_THRESHOLD = 0.5
MAX_DET = 200
TOP_K = 2000
NMS_ITERS = 5


def decode_box_outputs(rel_codes, anchors):
    ycenter_a = (anchors[:, 0] + anchors[:, 2]) / 2.0
    xcenter_a = (anchors[:, 1] + anchors[:, 3]) / 2.0
    ha = anchors[:, 2] - anchors[:, 0]
    wa = anchors[:, 3] - anchors[:, 1]
    ty = rel_codes[:, 0]
    tx = rel_codes[:, 1]
    th = rel_codes[:, 2]
    tw = rel_codes[:, 3]
    w = jnp.exp(tw) * wa
    h = jnp.exp(th) * ha
    ycenter = ty * ha + ycenter_a
    xcenter = tx * wa + xcenter_a
    xmin = xcenter - w / 2.0
    ymin = ycenter - h / 2.0
    xmax = xcenter + w / 2.0
    ymax = ycenter + h / 2.0
    return jnp.stack([xmin, ymin, xmax, ymax], axis=1)


def clip_boxes_xyxy(boxes, size):
    boxes = jnp.maximum(boxes, 0.0)
    sz = jnp.concatenate([size, size], axis=0)
    return jnp.minimum(boxes, sz)


def dist_iou(a, b):
    area_a = (a[:, 2] - a[:, 0]) * (a[:, 3] - a[:, 1])
    area_b = (b[:, 2] - b[:, 0]) * (b[:, 3] - b[:, 1])
    lt = jnp.maximum(a[:, None, :2], b[None, :, :2])
    rb = jnp.minimum(a[:, None, 2:], b[None, :, 2:])
    wh = jnp.maximum(rb - lt, 0.0)
    inter = wh[..., 0] * wh[..., 1]
    union = area_a[:, None] + area_b[None, :] - inter
    iou = inter / jnp.maximum(union, 1e-8)
    ca = (a[:, :2] + a[:, 2:]) / 2.0
    cb = (b[:, :2] + b[:, 2:]) / 2.0
    d2 = jnp.sum((ca[:, None, :] - cb[None, :, :]) ** 2, axis=-1)
    elt = jnp.minimum(a[:, None, :2], b[None, :, :2])
    erb = jnp.maximum(a[:, None, 2:], b[None, :, 2:])
    c2 = jnp.sum((erb - elt) ** 2, axis=-1)
    return iou - d2 / jnp.maximum(c2, 1e-8)


def _detections(cls_outputs, box_outputs, anchor_boxes, indices, img_scale, img_size):
    anchors = anchor_boxes[indices, :]
    boxes = decode_box_outputs(box_outputs.astype(jnp.float32), anchors)
    boxes = clip_boxes_xyxy(boxes, img_size / img_scale)
    scores = jax.nn.sigmoid(cls_outputs).astype(jnp.float32)
    confidence = jnp.max(scores, axis=-1)
    classes = jnp.argmax(scores, axis=-1)
    valid = confidence >= MIN_SCORE
    conf_masked = jnp.where(valid, confidence, -1.0)
    order = jnp.argsort(-conf_masked)[:TOP_K]
    b = boxes[order]
    c = conf_masked[order]
    cls = classes[order]
    v = valid[order]
    iou = jnp.triu(dist_iou(b, b), k=1)
    B = iou
    for _ in range(NMS_ITERS):
        maxA = jnp.max(B, axis=0)
        E = (maxA <= IOU_THRESHOLD).astype(iou.dtype)
        B = iou * E[:, None]
    maxA = jnp.max(B, axis=0)
    keep = jnp.logical_and(maxA <= IOU_THRESHOLD, v)
    rank_key = jnp.where(keep, c + 1.0, 0.0)
    rank = jnp.argsort(-rank_key)[:MAX_DET]
    kb = b[rank]
    ks = c[rank]
    kc = cls[rank]
    kk = keep[rank]
    bw = kb[:, 2] - kb[:, 0]
    bh = kb[:, 3] - kb[:, 1]
    out_boxes = jnp.stack([kb[:, 0], kb[:, 1], bw, bh], axis=1) * img_scale
    det = jnp.concatenate([out_boxes, ks[:, None], (kc[:, None] + 1).astype(jnp.float32)], axis=1)
    det = jnp.where(kk[:, None], det, 0.0)
    return det


def setup_inputs(seed: int = 0):
    key = jax.random.key(seed)
    k1, k2, k3, k4, k5, k6 = jax.random.split(key, 6)
    cls_outputs = jax.random.normal(k1, (N_BOXES, NUM_CLASSES), dtype=jnp.float32)
    box_outputs = jax.random.normal(k2, (N_BOXES, 4), dtype=jnp.float32) * 0.25
    cy = jax.random.uniform(k3, (N_BOXES,), dtype=jnp.float32) * 512.0
    cx = jax.random.uniform(k4, (N_BOXES,), dtype=jnp.float32) * 512.0
    hh = 16.0 + jax.random.uniform(k5, (N_BOXES,), dtype=jnp.float32) * 112.0
    ww = 16.0 + jax.random.uniform(k6, (N_BOXES,), dtype=jnp.float32) * 112.0
    anchor_boxes = jnp.stack([cy - hh / 2.0, cx - ww / 2.0, cy + hh / 2.0, cx + ww / 2.0], axis=1)
    indices = jax.random.randint(jax.random.fold_in(key, 7), (N_BOXES,), 0, N_BOXES)
    img_scale = jnp.ones((1,), dtype=jnp.float32)
    img_size = jnp.ones((2,), dtype=jnp.float32) * 512.0
    return {"cls_outputs": cls_outputs, "box_outputs": box_outputs, "anchor_boxes": anchor_boxes, "indices": indices, "img_scale": img_scale, "img_size": img_size}


def reference(cls_outputs, box_outputs, anchor_boxes, indices, img_scale, img_size):
    return _detections(cls_outputs, box_outputs, anchor_boxes, indices, img_scale, img_size)

if __name__ == "__main__":
    import jax
    _d = setup_inputs()
    print(jax.jit(kernel)(*tuple(_d.values())))

</pallas_src>

<mosaic_0001>
module attributes {stable_mosaic.version = 14 : i64} {
  func.func @_score_body(%arg0: i32, %arg1: memref<2000x90xf32, #tpu.memory_space<vmem>>, %arg2: memref<2000x1xf32, #tpu.memory_space<vmem>>, %arg3: memref<2000x1xi32, #tpu.memory_space<vmem>>) attributes {dimension_semantics = [#tpu.dimension_semantics<arbitrary>], iteration_bounds = array<i64: 10>, scalar_prefetch = 0 : i64, scratch_operands = 0 : i64, tpu.core_type = #tpu.core_type<tc>, window_params = [{transform_indices = @transform_0, window_bounds = array<i64: 2000, 90>}, {transform_indices = @transform_1, window_bounds = array<i64: 2000, 1>}, {transform_indices = @transform_2, window_bounds = array<i64: 2000, 1>}]} {
    %get3A = arith.constant 0 : index
    %get3A_0 = arith.constant 0 : index
    %get3A_1 = vector.load %arg1[%get3A, %get3A_0] : memref<2000x90xf32, #tpu.memory_space<vmem>>, vector<2000x90xf32>
    %logistic3A = arith.negf %get3A_1 : vector<2000x90xf32>
    %logistic3A_2 = math.exp %logistic3A : vector<2000x90xf32>
    %logistic3A_3 = arith.constant 1.000000e+00 : f32
    %logistic3A_4 = vector.broadcast %logistic3A_3 : f32 to vector<2000x90xf32>
    %logistic3A_5 = arith.addf %logistic3A_4, %logistic3A_2 : vector<2000x90xf32>
    %logistic3A_6 = arith.divf %logistic3A_4, %logistic3A_5 : vector<2000x90xf32>
    %reduce_max3A = arith.constant dense<0xFF800000> : vector<2000xf32>
    %reduce_max3A_7 = vector.multi_reduction <maximumf>, %logistic3A_6, %reduce_max3A [1] : vector<2000x90xf32> to vector<2000xf32>
    %broadcast_in_dim3A = vector.shape_cast %reduce_max3A_7 : vector<2000xf32> to vector<2000x1xf32>
    %iota3A = tpu.iota {dimensions = array<i32: 1>} : vector<2000x90xi32>
    %eq3A = vector.broadcast %broadcast_in_dim3A : vector<2000x1xf32> to vector<2000x90xf32>
    %eq3A_8 = arith.cmpf oeq, %logistic3A_6, %eq3A : vector<2000x90xf32>
    %jit3A = arith.constant 90 : i32
    %broadcast_in_dim3A_9 = vector.broadcast %jit3A : i32 to vector<2000x90xi32>
    %select_n3A = arith.select %eq3A_8, %iota3A, %broadcast_in_dim3A_9 : vector<2000x90xi1>, vector<2000x90xi32>
    %reduce_min3A = arith.constant dense<2147483647> : vector<2000xi32>
    %reduce_min3A_10 = vector.multi_reduction <minsi>, %select_n3A, %reduce_min3A [1] : vector<2000x90xi32> to vector<2000xi32>
    %broadcast_in_dim3A_11 = vector.shape_cast %reduce_min3A_10 : vector<2000xi32> to vector<2000x1xi32>
    %ge3A = arith.constant 5.000000e-02 : f32
    %ge3A_12 = vector.broadcast %ge3A : f32 to vector<2000x1xf32>
    %ge3A_13 = arith.cmpf oge, %broadcast_in_dim3A, %ge3A_12 : vector<2000x1xf32>
    %jit3A_14 = arith.constant -1.000000e+00 : f32
    %broadcast_in_dim3A_15 = vector.broadcast %jit3A_14 : f32 to vector<2000x1xf32>
    %select_n3A_16 = arith.select %ge3A_13, %broadcast_in_dim3A, %broadcast_in_dim3A_15 : vector<2000x1xi1>, vector<2000x1xf32>
    %swap3A = arith.constant 0 : index
    %swap3A_17 = arith.constant 0 : index
    %swap3A_18 = vector.load %arg2[%swap3A, %swap3A_17] : memref<2000x1xf32, #tpu.memory_space<vmem>>, vector<2000x1xf32>
    tpu.vector_store %arg2[%swap3A, %swap3A_17], %select_n3A_16 {strides = array<i32>} : memref<2000x1xf32, #tpu.memory_space<vmem>>, vector<2000x1xf32>,
    %swap3A_19 = arith.constant 0 : index
    %swap3A_20 = arith.constant 0 : index
    %swap3A_21 = vector.load %arg3[%swap3A_19, %swap3A_20] : memref<2000x1xi32, #tpu.memory_space<vmem>>, vector<2000x1xi32>
    tpu.vector_store %arg3[%swap3A_19, %swap3A_20], %broadcast_in_dim3A_11 {strides = array<i32>} : memref<2000x1xi32, #tpu.memory_space<vmem>>, vector<2000x1xi32>,
    return
  }
  func.func @transform_0(%arg0: i32) -> (i32, i32) {
    %c0_i32 = arith.constant 0 : i32
    %c0_i32_0 = arith.constant 0 : i32
    return %arg0, %c0_i32 : i32, i32
  }
  func.func @transform_1(%arg0: i32) -> (i32, i32) {
    %c0_i32 = arith.constant 0 : i32
    %c0_i32_0 = arith.constant 0 : i32
    return %arg0, %c0_i32 : i32, i32
  }
  func.func @transform_2(%arg0: i32) -> (i32, i32) {
    %c0_i32 = arith.constant 0 : i32
    %c0_i32_0 = arith.constant 0 : i32
    return %arg0, %c0_i32 : i32, i32
  }
}

module attributes {stable_mosaic.version = 14 : i64} {
  func.func @_nms_body(%arg0: memref<2000x4xf32, #tpu.memory_space<vmem>>, %arg1: memref<2000x4xf32, #tpu.memory_space<vmem>>, %arg2: memref<4x2000xf32, #tpu.memory_space<vmem>>, %arg3: memref<4x2000xf32, #tpu.memory_space<vmem>>, %arg4: memref<2000x1xf32, #tpu.memory_space<vmem>>, %arg5: memref<1x2000xf32, #tpu.memory_space<vmem>>, %arg6: memref<2000x1xf32, #tpu.memory_space<vmem>>, %arg7: memref<1x4xf32, #tpu.memory_space<vmem>>, %arg8: memref<4x1xf32, #tpu.memory_space<vmem>>, %arg9: memref<1x1xf32, #tpu.memory_space<vmem>>, %arg10: memref<200x6xf32, #tpu.memory_space<vmem>>, %arg11: memref<2000x2000xf32, #tpu.memory_space<vmem>>) attributes {dimension_semantics = [], scalar_prefetch = 0 : i64, scratch_operands = 1 : i64, tpu.core_type = #tpu.core_type<tc>} {
    %get3A = arith.constant 0 : index
    %get3A_0 = arith.constant 0 : index
    %get3A_1 = vector.load %arg1[%get3A, %get3A_0] : memref<2000x4xf32, #tpu.memory_space<vmem>>, vector<2000x4xf32>
    %get3A_2 = arith.constant 0 : index
    %get3A_3 = arith.constant 0 : index
    %get3A_4 = vector.load %arg0[%get3A_2, %get3A_3] : memref<2000x4xf32, #tpu.memory_space<vmem>>, vector<2000x4xf32>
    %slice3A = vector.extract_strided_slice %get3A_1 {offsets = [0, 0], sizes = [2000, 1], strides = [1, 1]} : vector<2000x4xf32> to vector<2000x1xf32>
    %slice3A_5 = vector.extract_strided_slice %get3A_1 {offsets = [0, 2], sizes = [2000, 1], strides = [1, 1]} : vector<2000x4xf32> to vector<2000x1xf32>
    %add3A = arith.addf %slice3A, %slice3A_5 : vector<2000x1xf32>
    %div3A = arith.constant 2.000000e+00 : f32
    %div3A_6 = vector.broadcast %div3A : f32 to vector<2000x1xf32>
    %div3A_7 = arith.divf %add3A, %div3A_6 : vector<2000x1xf32>
    %slice3A_8 = vector.extract_strided_slice %get3A_1 {offsets = [0, 1], sizes = [2000, 1], strides = [1, 1]} : vector<2000x4xf32> to vector<2000x1xf32>
    %slice3A_9 = vector.extract_strided_slice %get3A_1 {offsets = [0, 3], sizes = [2000, 1], strides = [1, 1]} : vector<2000x4xf32> to vector<2000x1xf32>
    %add3A_10 = arith.addf %slice3A_8, %slice3A_9 : vector<2000x1xf32>
    %div3A_11 = arith.constant 2.000000e+00 : f32
    %div3A_12 = vector.broadcast %div3A_11 : f32 to vector<2000x1xf32>
    %div3A_13 = arith.divf %add3A_10, %div3A_12 : vector<2000x1xf32>
    %slice3A_14 = vector.extract_strided_slice %get3A_1 {offsets = [0, 2], sizes = [2000, 1], strides = [1, 1]} : vector<2000x4xf32> to vector<2000x1xf32>
    %slice3A_15 = vector.extract_strided_slice %get3A_1 {offsets = [0, 0], sizes = [2000, 1], strides = [1, 1]} : vector<2000x4xf32> to vector<2000x1xf32>
    %sub3A = arith.subf %slice3A_14, %slice3A_15 : vector<2000x1xf32>
    %slice3A_16 = vector.extract_strided_slice %get3A_1 {offsets = [0, 3], sizes = [2000, 1], strides = [1, 1]} : vector<2000x4xf32> to vector<2000x1xf32>
    %slice3A_17 = vector.extract_strided_slice %get3A_1 {offsets = [0, 1], sizes = [2000, 1], strides = [1, 1]} : vector<2000x4xf32> to vector<2000x1xf32>
    %sub3A_18 = arith.subf %slice3A_16, %slice3A_17 : vector<2000x1xf32>
    %slice3A_19 = vector.extract_strided_slice %get3A_4 {offsets = [0, 0], sizes = [2000, 1], strides = [1, 1]} : vector<2000x4xf32> to vector<2000x1xf32>
    %slice3A_20 = vector.extract_strided_slice %get3A_4 {offsets = [0, 1], sizes = [2000, 1], strides = [1, 1]} : vector<2000x4xf32> to vector<2000x1xf32>
    %slice3A_21 = vector.extract_strided_slice %get3A_4 {offsets = [0, 2], sizes = [2000, 1], strides = [1, 1]} : vector<2000x4xf32> to vector<2000x1xf32>
    %slice3A_22 = vector.extract_strided_slice %get3A_4 {offsets = [0, 3], sizes = [2000, 1], strides = [1, 1]} : vector<2000x4xf32> to vector<2000x1xf32>
    %exp3A = math.exp %slice3A_22 : vector<2000x1xf32>
    %mul3A = arith.mulf %exp3A, %sub3A_18 : vector<2000x1xf32>
    %exp3A_23 = math.exp %slice3A_21 : vector<2000x1xf32>
    %mul3A_24 = arith.mulf %exp3A_23, %sub3A : vector<2000x1xf32>
    %mul3A_25 = arith.mulf %slice3A_19, %sub3A : vector<2000x1xf32>
    %add3A_26 = arith.addf %mul3A_25, %div3A_7 : vector<2000x1xf32>
    %mul3A_27 = arith.mulf %slice3A_20, %sub3A_18 : vector<2000x1xf32>
    %add3A_28 = arith.addf %mul3A_27, %div3A_13 : vector<2000x1xf32>
    %div3A_29 = arith.constant 2.000000e+00 : f32
    %div3A_30 = vector.broadcast %div3A_29 : f32 to vector<2000x1xf32>
    %div3A_31 = arith.divf %mul3A, %div3A_30 : vector<2000x1xf32>
    %sub3A_32 = arith.subf %add3A_28, %div3A_31 : vector<2000x1xf32>
    %div3A_33 = arith.constant 2.000000e+00 : f32
    %div3A_34 = vector.broadcast %div3A_33 : f32 to vector<2000x1xf32>
    %div3A_35 = arith.divf %mul3A_24, %div3A_34 : vector<2000x1xf32>
    %sub3A_36 = arith.subf %add3A_26, %div3A_35 : vector<2000x1xf32>
    %div3A_37 = arith.constant 2.000000e+00 : f32
    %div3A_38 = vector.broadcast %div3A_37 : f32 to vector<2000x1xf32>
    %div3A_39 = arith.divf %mul3A, %div3A_38 : vector<2000x1xf32>
    %add3A_40 = arith.addf %add3A_28, %div3A_39 : vector<2000x1xf32>
    %div3A_41 = arith.constant 2.000000e+00 : f32
    %div3A_42 = vector.broadcast %div3A_41 : f32 to vector<2000x1xf32>
    %div3A_43 = arith.divf %mul3A_24, %div3A_42 : vector<2000x1xf32>
    %add3A_44 = arith.addf %add3A_26, %div3A_43 : vector<2000x1xf32>
    %concatenate3A = tpu.concatenate %sub3A_32, %sub3A_36, %add3A_40, %add3A_44 in 1 : vector<2000x1xf32>, vector<2000x1xf32>, vector<2000x1xf32>, vector<2000x1xf32> -> vector<2000x4xf32>
    %max3A = arith.constant 0.000000e+00 : f32
    %max3A_45 = vector.broadcast %max3A : f32 to vector<2000x4xf32>
    %max3A_46 = arith.maximumf %concatenate3A, %max3A_45 : vector<2000x4xf32>
    %get3A_47 = arith.constant 0 : index
    %get3A_48 = arith.constant 0 : index
    %get3A_49 = vector.load %arg7[%get3A_47, %get3A_48] : memref<1x4xf32, #tpu.memory_space<vmem>>, vector<1x4xf32>
    %min3A = vector.broadcast %get3A_49 : vector<1x4xf32> to vector<2000x4xf32>
    %min3A_50 = arith.minimumf %max3A_46, %min3A : vector<2000x4xf32>
    %slice3A_51 = vector.extract_strided_slice %min3A_50 {offsets = [0, 0], sizes = [2000, 1], strides = [1, 1]} : vector<2000x4xf32> to vector<2000x1xf32>
    %slice3A_52 = vector.extract_strided_slice %min3A_50 {offsets = [0, 1], sizes = [2000, 1], strides = [1, 1]} : vector<2000x4xf32> to vector<2000x1xf32>
    %slice3A_53 = vector.extract_strided_slice %min3A_50 {offsets = [0, 2], sizes = [2000, 1], strides = [1, 1]} : vector<2000x4xf32> to vector<2000x1xf32>
    %slice3A_54 = vector.extract_strided_slice %min3A_50 {offsets = [0, 3], sizes = [2000, 1], strides = [1, 1]} : vector<2000x4xf32> to vector<2000x1xf32>
    %sub3A_55 = arith.subf %slice3A_53, %slice3A_51 : vector<2000x1xf32>
    %sub3A_56 = arith.subf %slice3A_54, %slice3A_52 : vector<2000x1xf32>
    %mul3A_57 = arith.mulf %sub3A_55, %sub3A_56 : vector<2000x1xf32>
    %add3A_58 = arith.addf %slice3A_51, %slice3A_53 : vector<2000x1xf32>
    %div3A_59 = arith.constant 2.000000e+00 : f32
    %div3A_60 = vector.broadcast %div3A_59 : f32 to vector<2000x1xf32>
    %div3A_61 = arith.divf %add3A_58, %div3A_60 : vector<2000x1xf32>
    %add3A_62 = arith.addf %slice3A_52, %slice3A_54 : vector<2000x1xf32>
    %div3A_63 = arith.constant 2.000000e+00 : f32
    %div3A_64 = vector.broadcast %div3A_63 : f32 to vector<2000x1xf32>
    %div3A_65 = arith.divf %add3A_62, %div3A_64 : vector<2000x1xf32>
    %get3A_66 = arith.constant 0 : index
    %get3A_67 = arith.constant 0 : index
    %get3A_68 = vector.load %arg3[%get3A_66, %get3A_67] : memref<4x2000xf32, #tpu.memory_space<vmem>>, vector<4x2000xf32>
    %get3A_69 = arith.constant 0 : index
    %get3A_70 = arith.constant 0 : index
    %get3A_71 = vector.load %arg2[%get3A_69, %get3A_70] : memref<4x2000xf32, #tpu.memory_space<vmem>>, vector<4x2000xf32>
    %slice3A_72 = vector.extract_strided_slice %get3A_68 {offsets = [0, 0], sizes = [1, 2000], strides = [1, 1]} : vector<4x2000xf32> to vector<1x2000xf32>
    %slice3A_73 = vector.extract_strided_slice %get3A_68 {offsets = [2, 0], sizes = [1, 2000], strides = [1, 1]} : vector<4x2000xf32> to vector<1x2000xf32>
    %add3A_74 = arith.addf %slice3A_72, %slice3A_73 : vector<1x2000xf32>
    %div3A_75 = arith.constant 2.000000e+00 : f32
    %div3A_76 = vector.broadcast %div3A_75 : f32 to vector<1x2000xf32>
    %div3A_77 = arith.divf %add3A_74, %div3A_76 : vector<1x2000xf32>
    %slice3A_78 = vector.extract_strided_slice %get3A_68 {offsets = [1, 0], sizes = [1, 2000], strides = [1, 1]} : vector<4x2000xf32> to vector<1x2000xf32>
    %slice3A_79 = vector.extract_strided_slice %get3A_68 {offsets = [3, 0], sizes = [1, 2000], strides = [1, 1]} : vector<4x2000xf32> to vector<1x2000xf32>
    %add3A_80 = arith.addf %slice3A_78, %slice3A_79 : vector<1x2000xf32>
    %div3A_81 = arith.constant 2.000000e+00 : f32
    %div3A_82 = vector.broadcast %div3A_81 : f32 to vector<1x2000xf32>
    %div3A_83 = arith.divf %add3A_80, %div3A_82 : vector<1x2000xf32>
    %slice3A_84 = vector.extract_strided_slice %get3A_68 {offsets = [2, 0], sizes = [1, 2000], strides = [1, 1]} : vector<4x2000xf32> to vector<1x2000xf32>
    %slice3A_85 = vector.extract_strided_slice %get3A_68 {offsets = [0, 0], sizes = [1, 2000], strides = [1, 1]} : vector<4x2000xf32> to vector<1x2000xf32>
    %sub3A_86 = arith.subf %slice3A_84, %slice3A_85 : vector<1x2000xf32>
    %slice3A_87 = vector.extract_strided_slice %get3A_68 {offsets = [3, 0], sizes = [1, 2000], strides = [1, 1]} : vector<4x2000xf32> to vector<1x2000xf32>
    %slice3A_88 = vector.extract_strided_slice %get3A_68 {offsets = [1, 0], sizes = [1, 2000], strides = [1, 1]} : vector<4x2000xf32> to vector<1x2000xf32>
    %sub3A_89 = arith.subf %slice3A_87, %slice3A_88 : vector<1x2000xf32>
    %slice3A_90 = vector.extract_strided_slice %get3A_71 {offsets = [0, 0], sizes = [1, 2000], strides = [1, 1]} : vector<4x2000xf32> to vector<1x2000xf32>
    %slice3A_91 = vector.extract_strided_slice %get3A_71 {offsets = [1, 0], sizes = [1, 2000], strides = [1, 1]} : vector<4x2000xf32> to vector<1x2000xf32>
    %slice3A_92 = vector.extract_strided_slice %get3A_71 {offsets = [2, 0], sizes = [1, 2000], strides = [1, 1]} : vector<4x2000xf32> to vector<1x2000xf32>
    %slice3A_93 = vector.extract_strided_slice %get3A_71 {offsets = [3, 0], sizes = [1, 2000], strides = [1, 1]} : vector<4x2000xf32> to vector<1x2000xf32>
    %exp3A_94 = math.exp %slice3A_93 : vector<1x2000xf32>
    %mul3A_95 = arith.mulf %exp3A_94, %sub3A_89 : vector<1x2000xf32>
    %exp3A_96 = math.exp %slice3A_92 : vector<1x2000xf32>
    %mul3A_97 = arith.mulf %exp3A_96, %sub3A_86 : vector<1x2000xf32>
    %mul3A_98 = arith.mulf %slice3A_90, %sub3A_86 : vector<1x2000xf32>
    %add3A_99 = arith.addf %mul3A_98, %div3A_77 : vector<1x2000xf32>
    %mul3A_100 = arith.mulf %slice3A_91, %sub3A_89 : vector<1x2000xf32>
    %add3A_101 = arith.addf %mul3A_100, %div3A_83 : vector<1x2000xf32>
    %div3A_102 = arith.constant 2.000000e+00 : f32
    %div3A_103 = vector.broadcast %div3A_102 : f32 to vector<1x2000xf32>
    %div3A_104 = arith.divf %mul3A_95, %div3A_103 : vector<1x2000xf32>
    %sub3A_105 = arith.subf %add3A_101, %div3A_104 : vector<1x2000xf32>
    %div3A_106 = arith.constant 2.000000e+00 : f32
    %div3A_107 = vector.broadcast %div3A_106 : f32 to vector<1x2000xf32>
    %div3A_108 = arith.divf %mul3A_97, %div3A_107 : vector<1x2000xf32>
    %sub3A_109 = arith.subf %add3A_99, %div3A_108 : vector<1x2000xf32>
    %div3A_110 = arith.constant 2.000000e+00 : f32
    %div3A_111 = vector.broadcast %div3A_110 : f32 to vector<1x2000xf32>
    %div3A_112 = arith.divf %mul3A_95, %div3A_111 : vector<1x2000xf32>
    %add3A_113 = arith.addf %add3A_101, %div3A_112 : vector<1x2000xf32>
    %div3A_114 = arith.constant 2.000000e+00 : f32
    %div3A_115 = vector.broadcast %div3A_114 : f32 to vector<1x2000xf32>
    %div3A_116 = arith.divf %mul3A_97, %div3A_115 : vector<1x2000xf32>
    %add3A_117 = arith.addf %add3A_99, %div3A_116 : vector<1x2000xf32>
    %concatenate3A_118 = tpu.concatenate %sub3A_105, %sub3A_109, %add3A_113, %add3A_117 in 0 : vector<1x2000xf32>, vector<1x2000xf32>, vector<1x2000xf32>, vector<1x2000xf32> -> vector<4x2000xf32>
    %max3A_119 = arith.constant 0.000000e+00 : f32
    %max3A_120 = vector.broadcast %max3A_119 : f32 to vector<4x2000xf32>
    %max3A_121 = arith.maximumf %concatenate3A_118, %max3A_120 : vector<4x2000xf32>
    %get3A_122 = arith.constant 0 : index
    %get3A_123 = arith.constant 0 : index
    %get3A_124 = vector.load %arg8[%get3A_122, %get3A_123] : memref<4x1xf32, #tpu.memory_space<vmem>>, vector<4x1xf32>
    %min3A_125 = vector.broadcast %get3A_124 : vector<4x1xf32> to vector<4x2000xf32>
    %min3A_126 = arith.minimumf %max3A_121, %min3A_125 : vector<4x2000xf32>
    %slice3A_127 = vector.extract_strided_slice %min3A_126 {offsets = [0, 0], sizes = [1, 2000], strides = [1, 1]} : vector<4x2000xf32> to vector<1x2000xf32>
    %slice3A_128 = vector.extract_strided_slice %min3A_126 {offsets = [1, 0], sizes = [1, 2000], strides = [1, 1]} : vector<4x2000xf32> to vector<1x2000xf32>
    %slice3A_129 = vector.extract_strided_slice %min3A_126 {offsets = [2, 0], sizes = [1, 2000], strides = [1, 1]} : vector<4x2000xf32> to vector<1x2000xf32>
    %slice3A_130 = vector.extract_strided_slice %min3A_126 {offsets = [3, 0], sizes = [1, 2000], strides = [1, 1]} : vector<4x2000xf32> to vector<1x2000xf32>
    %sub3A_131 = arith.subf %slice3A_129, %slice3A_127 : vector<1x2000xf32>
    %sub3A_132 = arith.subf %slice3A_130, %slice3A_128 : vector<1x2000xf32>
    %mul3A_133 = arith.mulf %sub3A_131, %sub3A_132 : vector<1x2000xf32>
    %add3A_134 = arith.addf %slice3A_127, %slice3A_129 : vector<1x2000xf32>
    %div3A_135 = arith.constant 2.000000e+00 : f32
    %div3A_136 = vector.broadcast %div3A_135 : f32 to vector<1x2000xf32>
    %div3A_137 = arith.divf %add3A_134, %div3A_136 : vector<1x2000xf32>
    %add3A_138 = arith.addf %slice3A_128, %slice3A_130 : vector<1x2000xf32>
    %div3A_139 = arith.constant 2.000000e+00 : f32
    %div3A_140 = vector.broadcast %div3A_139 : f32 to vector<1x2000xf32>
    %div3A_141 = arith.divf %add3A_138, %div3A_140 : vector<1x2000xf32>
    %iota3A = tpu.iota {dimensions = array<i32: 1>} : vector<400x2000xi32>
    %iota3A_142 = tpu.iota {dimensions = array<i32: 0>} : vector<400x2000xi32>
    %slice3A_143 = vector.extract_strided_slice %slice3A_51 {offsets = [0, 0], sizes = [400, 1], strides = [1, 1]} : vector<2000x1xf32> to vector<400x1xf32>
    %slice3A_144 = vector.extract_strided_slice %slice3A_52 {offsets = [0, 0], sizes = [400, 1], strides = [1, 1]} : vector<2000x1xf32> to vector<400x1xf32>
    %slice3A_145 = vector.extract_strided_slice %slice3A_53 {offsets = [0, 0], sizes = [400, 1], strides = [1, 1]} : vector<2000x1xf32> to vector<400x1xf32>
    %slice3A_146 = vector.extract_strided_slice %slice3A_54 {offsets = [0, 0], sizes = [400, 1], strides = [1, 1]} : vector<2000x1xf32> to vector<400x1xf32>
    %slice3A_147 = vector.extract_strided_slice %mul3A_57 {offsets = [0, 0], sizes = [400, 1], strides = [1, 1]} : vector<2000x1xf32> to vector<400x1xf32>
    %slice3A_148 = vector.extract_strided_slice %div3A_61 {offsets = [0, 0], sizes = [400, 1], strides = [1, 1]} : vector<2000x1xf32> to vector<400x1xf32>
    %slice3A_149 = vector.extract_strided_slice %div3A_65 {offsets = [0, 0], sizes = [400, 1], strides = [1, 1]} : vector<2000x1xf32> to vector<400x1xf32>
    %min3A_150 = vector.broadcast %slice3A_145 : vector<400x1xf32> to vector<400x2000xf32>
    %min3A_151 = vector.broadcast %slice3A_129 : vector<1x2000xf32> to vector<400x2000xf32>
    %min3A_152 = arith.minimumf %min3A_150, %min3A_151 : vector<400x2000xf32>
    %max3A_153 = vector.broadcast %slice3A_143 : vector<400x1xf32> to vector<400x2000xf32>
    %max3A_154 = vector.broadcast %slice3A_127 : vector<1x2000xf32> to vector<400x2000xf32>
    %max3A_155 = arith.maximumf %max3A_153, %max3A_154 : vector<400x2000xf32>
    %sub3A_156 = arith.subf %min3A_152, %max3A_155 : vector<400x2000xf32>
    %max3A_157 = arith.constant 0.000000e+00 : f32
    %max3A_158 = vector.broadcast %max3A_157 : f32 to vector<400x2000xf32>
    %max3A_159 = arith.maximumf %sub3A_156, %max3A_158 : vector<400x2000xf32>
    %min3A_160 = vector.broadcast %slice3A_146 : vector<400x1xf32> to vector<400x2000xf32>
    %min3A_161 = vector.broadcast %slice3A_130 : vector<1x2000xf32> to vector<400x2000xf32>
    %min3A_162 = arith.minimumf %min3A_160, %min3A_161 : vector<400x2000xf32>
    %max3A_163 = vector.broadcast %slice3A_144 : vector<400x1xf32> to vector<400x2000xf32>
    %max3A_164 = vector.broadcast %slice3A_128 : vector<1x2000xf32> to vector<400x2000xf32>
    %max3A_165 = arith.maximumf %max3A_163, %max3A_164 : vector<400x2000xf32>
    %sub3A_166 = arith.subf %min3A_162, %max3A_165 : vector<400x2000xf32>
    %max3A_167 = arith.constant 0.000000e+00 : f32
    %max3A_168 = vector.broadcast %max3A_167 : f32 to vector<400x2000xf32>
    %max3A_169 = arith.maximumf %sub3A_166, %max3A_168 : vector<400x2000xf32>
    %mul3A_170 = arith.mulf %max3A_159, %max3A_169 : vector<400x2000xf32>
    %add3A_171 = vector.broadcast %slice3A_147 : vector<400x1xf32> to vector<400x2000xf32>
    %add3A_172 = vector.broadcast %mul3A_133 : vector<1x2000xf32> to vector<400x2000xf32>
    %add3A_173 = arith.addf %add3A_171, %add3A_172 : vector<400x2000xf32>
    %sub3A_174 = arith.subf %add3A_173, %mul3A_170 : vector<400x2000xf32>
    %max3A_175 = arith.constant 9.99999993E-9 : f32
    %max3A_176 = vector.broadcast %max3A_175 : f32 to vector<400x2000xf32>
    %max3A_177 = arith.maximumf %sub3A_174, %max3A_176 : vector<400x2000xf32>
    %div3A_178 = arith.divf %mul3A_170, %max3A_177 : vector<400x2000xf32>
    %sub3A_179 = vector.broadcast %slice3A_148 : vector<400x1xf32> to vector<400x2000xf32>
    %sub3A_180 = vector.broadcast %div3A_137 : vector<1x2000xf32> to vector<400x2000xf32>
    %sub3A_181 = arith.subf %sub3A_179, %sub3A_180 : vector<400x2000xf32>
    %integer_pow3A = arith.mulf %sub3A_181, %sub3A_181 : vector<400x2000xf32>
    %sub3A_182 = vector.broadcast %slice3A_149 : vector<400x1xf32> to vector<400x2000xf32>
    %sub3A_183 = vector.broadcast %div3A_141 : vector<1x2000xf32> to vector<400x2000xf32>
    %sub3A_184 = arith.subf %sub3A_182, %sub3A_183 : vector<400x2000xf32>
    %integer_pow3A_185 = arith.mulf %sub3A_184, %sub3A_184 : vector<400x2000xf32>
    %add3A_186 = arith.addf %integer_pow3A, %integer_pow3A_185 : vector<400x2000xf32>
    %max3A_187 = vector.broadcast %slice3A_145 : vector<400x1xf32> to vector<400x2000xf32>
    %max3A_188 = vector.broadcast %slice3A_129 : vector<1x2000xf32> to vector<400x2000xf32>
    %max3A_189 = arith.maximumf %max3A_187, %max3A_188 : vector<400x2000xf32>
    %min3A_190 = vector.broadcast %slice3A_143 : vector<400x1xf32> to vector<400x2000xf32>
    %min3A_191 = vector.broadcast %slice3A_127 : vector<1x2000xf32> to vector<400x2000xf32>
    %min3A_192 = arith.minimumf %min3A_190, %min3A_191 : vector<400x2000xf32>
    %sub3A_193 = arith.subf %max3A_189, %min3A_192 : vector<400x2000xf32>
    %max3A_194 = vector.broadcast %slice3A_146 : vector<400x1xf32> to vector<400x2000xf32>
    %max3A_195 = vector.broadcast %slice3A_130 : vector<1x2000xf32> to vector<400x2000xf32>
    %max3A_196 = arith.maximumf %max3A_194, %max3A_195 : vector<400x2000xf32>
    %min3A_197 = vector.broadcast %slice3A_144 : vector<400x1xf32> to vector<400x2000xf32>
    %min3A_198 = vector.broadcast %slice3A_128 : vector<1x2000xf32> to vector<400x2000xf32>
    %min3A_199 = arith.minimumf %min3A_197, %min3A_198 : vector<400x2000xf32>
    %sub3A_200 = arith.subf %max3A_196, %min3A_199 : vector<400x2000xf32>
    %integer_pow3A_201 = arith.mulf %sub3A_193, %sub3A_193 : vector<400x2000xf32>
    %integer_pow3A_202 = arith.mulf %sub3A_200, %sub3A_200 : vector<400x2000xf32>
    %add3A_203 = arith.addf %integer_pow3A_201, %integer_pow3A_202 : vector<400x2000xf32>
    %max3A_204 = arith.constant 9.99999993E-9 : f32
    %max3A_205 = vector.broadcast %max3A_204 : f32 to vector<400x2000xf32>
    %max3A_206 = arith.maximumf %add3A_203, %max3A_205 : vector<400x2000xf32>
    %div3A_207 = arith.divf %add3A_186, %max3A_206 : vector<400x2000xf32>
    %sub3A_208 = arith.subf %div3A_178, %div3A_207 : vector<400x2000xf32>
    %add3A_209 = arith.constant 0 : i32
    %add3A_210 = vector.broadcast %add3A_209 : i32 to vector<400x2000xi32>
    %add3A_211 = arith.addi %iota3A_142, %add3A_210 : vector<400x2000xi32>
    %lt3A = arith.cmpi slt, %add3A_211, %iota3A : vector<400x2000xi32>
    %jit3A = arith.constant 0.000000e+00 : f32
    %broadcast_in_dim3A = vector.broadcast %jit3A : f32 to vector<400x2000xf32>
    %select_n3A = arith.select %lt3A, %sub3A_208, %broadcast_in_dim3A : vector<400x2000xi1>, vector<400x2000xf32>
    %swap3A = arith.constant 0 : index
    %swap3A_212 = arith.constant 0 : index
    %swap3A_213 = vector.load %arg11[%swap3A, %swap3A_212] : memref<2000x2000xf32, #tpu.memory_space<vmem>>, vector<400x2000xf32>
    tpu.vector_store %arg11[%swap3A, %swap3A_212], %select_n3A {strides = array<i32>} : memref<2000x2000xf32, #tpu.memory_space<vmem>>, vector<400x2000xf32>,
    %slice3A_214 = vector.extract_strided_slice %slice3A_51 {offsets = [400, 0], sizes = [400, 1], strides = [1, 1]} : vector<2000x1xf32> to vector<400x1xf32>
    %slice3A_215 = vector.extract_strided_slice %slice3A_52 {offsets = [400, 0], sizes = [400, 1], strides = [1, 1]} : vector<2000x1xf32> to vector<400x1xf32>
    %slice3A_216 = vector.extract_strided_slice %slice3A_53 {offsets = [400, 0], sizes = [400, 1], strides = [1, 1]} : vector<2000x1xf32> to vector<400x1xf32>
    %slice3A_217 = vector.extract_strided_slice %slice3A_54 {offsets = [400, 0], sizes = [400, 1], strides = [1, 1]} : vector<2000x1xf32> to vector<400x1xf32>
    %slice3A_218 = vector.extract_strided_slice %mul3A_57 {offsets = [400, 0], sizes = [400, 1], strides = [1, 1]} : vector<2000x1xf32> to vector<400x1xf32>
    %slice3A_219 = vector.extract_strided_slice %div3A_61 {offsets = [400, 0], sizes = [400, 1], strides = [1, 1]} : vector<2000x1xf32> to vector<400x1xf32>
    %slice3A_220 = vector.extract_strided_slice %div3A_65 {offsets = [400, 0], sizes = [400, 1], strides = [1, 1]} : vector<2000x1xf32> to vector<400x1xf32>
    %min3A_221 = vector.broadcast %slice3A_216 : vector<400x1xf32> to vector<400x2000xf32>
    %min3A_222 = vector.broadcast %slice3A_129 : vector<1x2000xf32> to vector<400x2000xf32>
    %min3A_223 = arith.minimumf %min3A_221, %min3A_222 : vector<400x2000xf32>
    %max3A_224 = vector.broadcast %slice3A_214 : vector<400x1xf32> to vector<400x2000xf32>
    %max3A_225 = vector.broadcast %slice3A_127 : vector<1x2000xf32> to vector<400x2000xf32>
    %max3A_226 = arith.maximumf %max3A_224, %max3A_225 : vector<400x2000xf32>
    %sub3A_227 = arith.subf %min3A_223, %max3A_226 : vector<400x2000xf32>
    %max3A_228 = arith.constant 0.000000e+00 : f32
    %max3A_229 = vector.broadcast %max3A_228 : f32 to vector<400x2000xf32>
    %max3A_230 = arith.maximumf %sub3A_227, %max3A_229 : vector<400x2000xf32>
    %min3A_231 = vector.broadcast %slice3A_217 : vector<400x1xf32> to vector<400x2000xf32>
    %min3A_232 = vector.broadcast %slice3A_130 : vector<1x2000xf32> to vector<400x2000xf32>
    %min3A_233 = arith.minimumf %min3A_231, %min3A_232 : vector<400x2000xf32>
    %max3A_234 = vector.broadcast %slice3A_215 : vector<400x1xf32> to vector<400x2000xf32>
    %max3A_235 = vector.broadcast %slice3A_128 : vector<1x2000xf32> to vector<400x2000xf32>
    %max3A_236 = arith.maximumf %max3A_234, %max3A_235 : vector<400x2000xf32>
    %sub3A_237 = arith.subf %min3A_233, %max3A_236 : vector<400x2000xf32>
    %max3A_238 = arith.constant 0.000000e+00 : f32
    %max3A_239 = vector.broadcast %max3A_238 : f32 to vector<400x2000xf32>
    %max3A_240 = arith.maximumf %sub3A_237, %max3A_239 : vector<400x2000xf32>
    %mul3A_241 = arith.mulf %max3A_230, %max3A_240 : vector<400x2000xf32>
    %add3A_242 = vector.broadcast %slice3A_218 : vector<400x1xf32> to vector<400x2000xf32>
    %add3A_243 = vector.broadcast %mul3A_133 : vector<1x2000xf32> to vector<400x2000xf32>
    %add3A_244 = arith.addf %add3A_242, %add3A_243 : vector<400x2000xf32>
    %sub3A_245 = arith.subf %add3A_244, %mul3A_241 : vector<400x2000xf32>
    %max3A_246 = arith.constant 9.99999993E-9 : f32
    %max3A_247 = vector.broadcast %max3A_246 : f32 to vector<400x2000xf32>
    %max3A_248 = arith.maximumf %sub3A_245, %max3A_247 : vector<400x2000xf32>
    %div3A_249 = arith.divf %mul3A_241, %max3A_248 : vector<400x2000xf32>
    %sub3A_250 = vector.broadcast %slice3A_219 : vector<400x1xf32> to vector<400x2000xf32>
    %sub3A_251 = vector.broadcast %div3A_137 : vector<1x2000xf32> to vector<400x2000xf32>
    %sub3A_252 = arith.subf %sub3A_250, %sub3A_251 : vector<400x2000xf32>
    %integer_pow3A_253 = arith.mulf %sub3A_252, %sub3A_252 : vector<400x2000xf32>
    %sub3A_254 = vector.broadcast %slice3A_220 : vector<400x1xf32> to vector<400x2000xf32>
    %sub3A_255 = vector.broadcast %div3A_141 : vector<1x2000xf32> to vector<400x2000xf32>
    %sub3A_256 = arith.subf %sub3A_254, %sub3A_255 : vector<400x2000xf32>
    %integer_pow3A_257 = arith.mulf %sub3A_256, %sub3A_256 : vector<400x2000xf32>
    %add3A_258 = arith.addf %integer_pow3A_253, %integer_pow3A_257 : vector<400x2000xf32>
    %max3A_259 = vector.broadcast %slice3A_216 : vector<400x1xf32> to vector<400x2000xf32>
    %max3A_260 = vector.broadcast %slice3A_129 : vector<1x2000xf32> to vector<400x2000xf32>
    %max3A_261 = arith.maximumf %max3A_259, %max3A_260 : vector<400x2000xf32>
    %min3A_262 = vector.broadcast %slice3A_214 : vector<400x1xf32> to vector<400x2000xf32>
    %min3A_263 = vector.broadcast %slice3A_127 : vector<1x2000xf32> to vector<400x2000xf32>
    %min3A_264 = arith.minimumf %min3A_262, %min3A_263 : vector<400x2000xf32>
    %sub3A_265 = arith.subf %max3A_261, %min3A_264 : vector<400x2000xf32>
    %max3A_266 = vector.broadcast %slice3A_217 : vector<400x1xf32> to vector<400x2000xf32>
    %max3A_267 = vector.broadcast %slice3A_130 : vector<1x2000xf32> to vector<400x2000xf32>
    %max3A_268 = arith.maximumf %max3A_266, %max3A_267 : vector<400x2000xf32>
    %min3A_269 = vector.broadcast %slice3A_215 : vector<400x1xf32> to vector<400x2000xf32>
    %min3A_270 = vector.broadcast %slice3A_128 : vector<1x2000xf32> to vector<400x2000xf32>
    %min3A_271 = arith.minimumf %min3A_269, %min3A_270 : vector<400x2000xf32>
    %sub3A_272 = arith.subf %max3A_268, %min3A_271 : vector<400x2000xf32>
    %integer_pow3A_273 = arith.mulf %sub3A_265, %sub3A_265 : vector<400x2000xf32>
    %integer_pow3A_274 = arith.mulf %sub3A_272, %sub3A_272 : vector<400x2000xf32>
    %add3A_275 = arith.addf %integer_pow3A_273, %integer_pow3A_274 : vector<400x2000xf32>
    %max3A_276 = arith.constant 9.99999993E-9 : f32
    %max3A_277 = vector.broadcast %max3A_276 : f32 to vector<400x2000xf32>
    %max3A_278 = arith.maximumf %add3A_275, %max3A_277 : vector<400x2000xf32>
    %div3A_279 = arith.divf %add3A_258, %max3A_278 : vector<400x2000xf32>
    %sub3A_280 = arith.subf %div3A_249, %div3A_279 : vector<400x2000xf32>
    %add3A_281 = arith.constant 400 : i32
    %add3A_282 = vector.broadcast %add3A_281 : i32 to vector<400x2000xi32>
    %add3A_283 = arith.addi %iota3A_142, %add3A_282 : vector<400x2000xi32>
    %lt3A_284 = arith.cmpi slt, %add3A_283, %iota3A : vector<400x2000xi32>
    %jit3A_285 = arith.constant 0.000000e+00 : f32
    %broadcast_in_dim3A_286 = vector.broadcast %jit3A_285 : f32 to vector<400x2000xf32>
    %select_n3A_287 = arith.select %lt3A_284, %sub3A_280, %broadcast_in_dim3A_286 : vector<400x2000xi1>, vector<400x2000xf32>
    %swap3A_288 = arith.constant 400 : index
    %swap3A_289 = arith.constant 0 : index
    %swap3A_290 = vector.load %arg11[%swap3A_288, %swap3A_289] : memref<2000x2000xf32, #tpu.memory_space<vmem>>, vector<400x2000xf32>
    tpu.vector_store %arg11[%swap3A_288, %swap3A_289], %select_n3A_287 {strides = array<i32>} : memref<2000x2000xf32, #tpu.memory_space<vmem>>, vector<400x2000xf32>,
    %slice3A_291 = vector.extract_strided_slice %slice3A_51 {offsets = [800, 0], sizes = [400, 1], strides = [1, 1]} : vector<2000x1xf32> to vector<400x1xf32>
    %slice3A_292 = vector.extract_strided_slice %slice3A_52 {offsets = [800, 0], sizes = [400, 1], strides = [1, 1]} : vector<2000x1xf32> to vector<400x1xf32>
    %slice3A_293 = vector.extract_strided_slice %slice3A_53 {offsets = [800, 0], sizes = [400, 1], strides = [1, 1]} : vector<2000x1xf32> to vector<400x1xf32>
    %slice3A_294 = vector.extract_strided_slice %slice3A_54 {offsets = [800, 0], sizes = [400, 1], strides = [1, 1]} : vector<2000x1xf32> to vector<400x1xf32>
    %slice3A_295 = vector.extract_strided_slice %mul3A_57 {offsets = [800, 0], sizes = [400, 1], strides = [1, 1]} : vector<2000x1xf32> to vector<400x1xf32>
    %slice3A_296 = vector.extract_strided_slice %div3A_61 {offsets = [800, 0], sizes = [400, 1], strides = [1, 1]} : vector<2000x1xf32> to vector<400x1xf32>
    %slice3A_297 = vector.extract_strided_slice %div3A_65 {offsets = [800, 0], sizes = [400, 1], strides = [1, 1]} : vector<2000x1xf32> to vector<400x1xf32>
    %min3A_298 = vector.broadcast %slice3A_293 : vector<400x1xf32> to vector<400x2000xf32>
    %min3A_299 = vector.broadcast %slice3A_129 : vector<1x2000xf32> to vector<400x2000xf32>
    %min3A_300 = arith.minimumf %min3A_298, %min3A_299 : vector<400x2000xf32>
    %max3A_301 = vector.broadcast %slice3A_291 : vector<400x1xf32> to vector<400x2000xf32>
    %max3A_302 = vector.broadcast %slice3A_127 : vector<1x2000xf32> to vector<400x2000xf32>
    %max3A_303 = arith.maximumf %max3A_301, %max3A_302 : vector<400x2000xf32>
    %sub3A_304 = arith.subf %min3A_300, %max3A_303 : vector<400x2000xf32>
    %max3A_305 = arith.constant 0.000000e+00 : f32
    %max3A_306 = vector.broadcast %max3A_305 : f32 to vector<400x2000xf32>
    %max3A_307 = arith.maximumf %sub3A_304, %max3A_306 : vector<400x2000xf32>
    %min3A_308 = vector.broadcast %slice3A_294 : vector<400x1xf32> to vector<400x2000xf32>
    %min3A_309 = vector.broadcast %slice3A_130 : vector<1x2000xf32> to vector<400x2000xf32>
    %min3A_310 = arith.minimumf %min3A_308, %min3A_309 : vector<400x2000xf32>
    %max3A_311 = vector.broadcast %slice3A_292 : vector<400x1xf32> to vector<400x2000xf32>
    %max3A_312 = vector.broadcast %slice3A_128 : vector<1x2000xf32> to vector<400x2000xf32>
    %max3A_313 = arith.maximumf %max3A_311, %max3A_312 : vector<400x2000xf32>
    %sub3A_314 = arith.subf %min3A_310, %max3A_313 : vector<400x2000xf32>
    %max3A_315 = arith.constant 0.000000e+00 : f32
    %max3A_316 = vector.broadcast %max3A_315 : f32 to vector<400x2000xf32>
    %max3A_317 = arith.maximumf %sub3A_314, %max3A_316 : vector<400x2000xf32>
    %mul3A_318 = arith.mulf %max3A_307, %max3A_317 : vector<400x2000xf32>
    %add3A_319 = vector.broadcast %slice3A_295 : vector<400x1xf32> to vector<400x2000xf32>
    %add3A_320 = vector.broadcast %mul3A_133 : vector<1x2000xf32> to vector<400x2000xf32>
    %add3A_321 = arith.addf %add3A_319, %add3A_320 : vector<400x2000xf32>
    %sub3A_322 = arith.subf %add3A_321, %mul3A_318 : vector<400x2000xf32>
    %max3A_323 = arith.constant 9.99999993E-9 : f32
    %max3A_324 = vector.broadcast %max3A_323 : f32 to vector<400x2000xf32>
    %max3A_325 = arith.maximumf %sub3A_322, %max3A_324 : vector<400x2000xf32>
    %div3A_326 = arith.divf %mul3A_318, %max3A_325 : vector<400x2000xf32>
    %sub3A_327 = vector.broadcast %slice3A_296 : vector<400x1xf32> to vector<400x2000xf32>
    %sub3A_328 = vector.broadcast %div3A_137 : vector<1x2000xf32> to vector<400x2000xf32>
    %sub3A_329 = arith.subf %sub3A_327, %sub3A_328 : vector<400x2000xf32>
    %integer_pow3A_330 = arith.mulf %sub3A_329, %sub3A_329 : vector<400x2000xf32>
    %sub3A_331 = vector.broadcast %slice3A_297 : vector<400x1xf32> to vector<400x2000xf32>
    %sub3A_332 = vector.broadcast %div3A_141 : vector<1x2000xf32> to vector<400x2000xf32>
    %sub3A_333 = arith.subf %sub3A_331, %sub3A_332 : vector<400x2000xf32>
    %integer_pow3A_334 = arith.mulf %sub3A_333, %sub3A_333 : vector<400x2000xf32>
    %add3A_335 = arith.addf %integer_pow3A_330, %integer_pow3A_334 : vector<400x2000xf32>
    %max3A_336 = vector.broadcast %slice3A_293 : vector<400x1xf32> to vector<400x2000xf32>
    %max3A_337 = vector.broadcast %slice3A_129 : vector<1x2000xf32> to vector<400x2000xf32>
    %max3A_338 = arith.maximumf %max3A_336, %max3A_337 : vector<400x2000xf32>
    %min3A_339 = vector.broadcast %slice3A_291 : vector<400x1xf32> to vector<400x2000xf32>
    %min3A_340 = vector.broadcast %slice3A_127 : vector<1x2000xf32> to vector<400x2000xf32>
    %min3A_341 = arith.minimumf %min3A_339, %min3A_340 : vector<400x2000xf32>
    %sub3A_342 = arith.subf %max3A_338, %min3A_341 : vector<400x2000xf32>
    %max3A_343 = vector.broadcast %slice3A_294 : vector<400x1xf32> to vector<400x2000xf32>
    %max3A_344 = vector.broadcast %slice3A_130 : vector<1x2000xf32> to vector<400x2000xf32>
    %max3A_345 = arith.maximumf %max3A_343, %max3A_344 : vector<400x2000xf32>
    %min3A_346 = vector.broadcast %slice3A_292 : vector<400x1xf32> to vector<400x2000xf32>
    %min3A_347 = vector.broadcast %slice3A_128 : vector<1x2000xf32> to vector<400x2000xf32>
    %min3A_348 = arith.minimumf %min3A_346, %min3A_347 : vector<400x2000xf32>
    %sub3A_349 = arith.subf %max3A_345, %min3A_348 : vector<400x2000xf32>
    %integer_pow3A_350 = arith.mulf %sub3A_342, %sub3A_342 : vector<400x2000xf32>
    %integer_pow3A_351 = arith.mulf %sub3A_349, %sub3A_349 : vector<400x2000xf32>
    %add3A_352 = arith.addf %integer_pow3A_350, %integer_pow3A_351 : vector<400x2000xf32>
    %max3A_353 = arith.constant 9.99999993E-9 : f32
    %max3A_354 = vector.broadcast %max3A_353 : f32 to vector<400x2000xf32>
    %max3A_355 = arith.maximumf %add3A_352, %max3A_354 : vector<400x2000xf32>
    %div3A_356 = arith.divf %add3A_335, %max3A_355 : vector<400x2000xf32>
    %sub3A_357 = arith.subf %div3A_326, %div3A_356 : vector<400x2000xf32>
    %add3A_358 = arith.constant 800 : i32
    %add3A_359 = vector.broadcast %add3A_358 : i32 to vector<400x2000xi32>
    %add3A_360 = arith.addi %iota3A_142, %add3A_359 : vector<400x2000xi32>
    %lt3A_361 = arith.cmpi slt, %add3A_360, %iota3A : vector<400x2000xi32>
    %jit3A_362 = arith.constant 0.000000e+00 : f32
    %broadcast_in_dim3A_363 = vector.broadcast %jit3A_362 : f32 to vector<400x2000xf32>
    %select_n3A_364 = arith.select %lt3A_361, %sub3A_357, %broadcast_in_dim3A_363 : vector<400x2000xi1>, vector<400x2000xf32>
    %swap3A_365 = arith.constant 800 : index
    %swap3A_366 = arith.constant 0 : index
    %swap3A_367 = vector.load %arg11[%swap3A_365, %swap3A_366] : memref<2000x2000xf32, #tpu.memory_space<vmem>>, vector<400x2000xf32>
    tpu.vector_store %arg11[%swap3A_365, %swap3A_366], %select_n3A_364 {strides = array<i32>} : memref<2000x2000xf32, #tpu.memory_space<vmem>>, vector<400x2000xf32>,
    %slice3A_368 = vector.extract_strided_slice %slice3A_51 {offsets = [1200, 0], sizes = [400, 1], strides = [1, 1]} : vector<2000x1xf32> to vector<400x1xf32>
    %slice3A_369 = vector.extract_strided_slice %slice3A_52 {offsets = [1200, 0], sizes = [400, 1], strides = [1, 1]} : vector<2000x1xf32> to vector<400x1xf32>
    %slice3A_370 = vector.extract_strided_slice %slice3A_53 {offsets = [1200, 0], sizes = [400, 1], strides = [1, 1]} : vector<2000x1xf32> to vector<400x1xf32>
    %slice3A_371 = vector.extract_strided_slice %slice3A_54 {offsets = [1200, 0], sizes = [400, 1], strides = [1, 1]} : vector<2000x1xf32> to vector<400x1xf32>
    %slice3A_372 = vector.extract_strided_slice %mul3A_57 {offsets = [1200, 0], sizes = [400, 1], strides = [1, 1]} : vector<2000x1xf32> to vector<400x1xf32>
    %slice3A_373 = vector.extract_strided_slice %div3A_61 {offsets = [1200, 0], sizes = [400, 1], strides = [1, 1]} : vector<2000x1xf32> to vector<400x1xf32>
    %slice3A_374 = vector.extract_strided_slice %div3A_65 {offsets = [1200, 0], sizes = [400, 1], strides = [1, 1]} : vector<2000x1xf32> to vector<400x1xf32>
    %min3A_375 = vector.broadcast %slice3A_370 : vector<400x1xf32> to vector<400x2000xf32>
    %min3A_376 = vector.broadcast %slice3A_129 : vector<1x2000xf32> to vector<400x2000xf32>
    %min3A_377 = arith.minimumf %min3A_375, %min3A_376 : vector<400x2000xf32>
    %max3A_378 = vector.broadcast %slice3A_368 : vector<400x1xf32> to vector<400x2000xf32>
    %max3A_379 = vector.broadcast %slice3A_127 : vector<1x2000xf32> to vector<400x2000xf32>
    %max3A_380 = arith.maximumf %max3A_378, %max3A_379 : vector<400x2000xf32>
    %sub3A_381 = arith.subf %min3A_377, %max3A_380 : vector<400x2000xf32>
    %max3A_382 = arith.constant 0.000000e+00 : f32
    %max3A_383 = vector.broadcast %max3A_382 : f32 to vector<400x2000xf32>
    %max3A_384 = arith.maximumf %sub3A_381, %max3A_383 : vector<400x2000xf32>
    %min3A_385 = vector.broadcast %slice3A_371 : vector<400x1xf32> to vector<400x2000xf32>
    %min3A_386 = vector.broadcast %slice3A_130 : vector<1x2000xf32> to vector<400x2000xf32>
    %min3A_387 = arith.minimumf %min3A_385, %min3A_386 : vector<400x2000xf32>
    %max3A_388 = vector.broadcast %slice3A_369 : vector<400x1xf32> to vector<400x2000xf32>
    %max3A_389 = vector.broadcast %slice3A_128 : vector<1x2000xf32> to vector<400x2000xf32>
    %max3A_390 = arith.maximumf %max3A_388, %max3A_389 : vector<400x2000xf32>
    %sub3A_391 = arith.subf %min3A_387, %max3A_390 : vector<400x2000xf32>
    %max3A_392 = arith.constant 0.000000e+00 : f32
    %max3A_393 = vector.broadcast %max3A_392 : f32 to vector<400x2000xf32>
    %max3A_394 = arith.maximumf %sub3A_391, %max3A_393 : vector<400x2000xf32>
    %mul3A_395 = arith.mulf %max3A_384, %max3A_394 : vector<400x2000xf32>
    %add3A_396 = vector.broadcast %slice3A_372 : vector<400x1xf32> to vector<400x2000xf32>
    %add3A_397 = vector.broadcast %mul3A_133 : vector<1x2000xf32> to vector<400x2000xf32>
    %add3A_398 = arith.addf %add3A_396, %add3A_397 : vector<400x2000xf32>
    %sub3A_399 = arith.subf %add3A_398, %mul3A_395 : vector<400x2000xf32>
    %max3A_400 = arith.constant 9.99999993E-9 : f32
    %max3A_401 = vector.broadcast %max3A_400 : f32 to vector<400x2000xf32>
    %max3A_402 = arith.maximumf %sub3A_399, %max3A_401 : vector<400x2000xf32>
    %div3A_403 = arith.divf %mul3A_395, %max3A_402 : vector<400x2000xf32>
    %sub3A_404 = vector.broadcast %slice3A_373 : vector<400x1xf32> to vector<400x2000xf32>
    %sub3A_405 = vector.broadcast %div3A_137 : vector<1x2000xf32> to vector<400x2000xf32>
    %sub3A_406 = arith.subf %sub3A_404, %sub3A_405 : vector<400x2000xf32>
    %integer_pow3A_407 = arith.mulf %sub3A_406, %sub3A_406 : vector<400x2000xf32>
    %sub3A_408 = vector.broadcast %slice3A_374 : vector<400x1xf32> to vector<400x2000xf32>
    %sub3A_409 = vector.broadcast %div3A_141 : vector<1x2000xf32> to vector<400x2000xf32>
    %sub3A_410 = arith.subf %sub3A_408, %sub3A_409 : vector<400x2000xf32>
    %integer_pow3A_411 = arith.mulf %sub3A_410, %sub3A_410 : vector<400x2000xf32>
    %add3A_412 = arith.addf %integer_pow3A_407, %integer_pow3A_411 : vector<400x2000xf32>
    %max3A_413 = vector.broadcast %slice3A_370 : vector<400x1xf32> to vector<400x2000xf32>
    %max3A_414 = vector.broadcast %slice3A_129 : vector<1x2000xf32> to vector<400x2000xf32>
    %max3A_415 = arith.maximumf %max3A_413, %max3A_414 : vector<400x2000xf32>
    %min3A_416 = vector.broadcast %slice3A_368 : vector<400x1xf32> to vector<400x2000xf32>
    %min3A_417 = vector.broadcast %slice3A_127 : vector<1x2000xf32> to vector<400x2000xf32>
    %min3A_418 = arith.minimumf %min3A_416, %min3A_417 : vector<400x2000xf32>
    %sub3A_419 = arith.subf %max3A_415, %min3A_418 : vector<400x2000xf32>
    %max3A_420 = vector.broadcast %slice3A_371 : vector<400x1xf32> to vector<400x2000xf32>
    %max3A_421 = vector.broadcast %slice3A_130 : vector<1x2000xf32> to vector<400x2000xf32>
    %max3A_422 = arith.maximumf %max3A_420, %max3A_421 : vector<400x2000xf32>
    %min3A_423 = vector.broadcast %slice3A_369 : vector<400x1xf32> to vector<400x2000xf32>
    %min3A_424 = vector.broadcast %slice3A_128 : vector<1x2000xf32> to vector<400x2000xf32>
    %min3A_425 = arith.minimumf %min3A_423, %min3A_424 : vector<400x2000xf32>
    %sub3A_426 = arith.subf %max3A_422, %min3A_425 : vector<400x2000xf32>
    %integer_pow3A_427 = arith.mulf %sub3A_419, %sub3A_419 : vector<400x2000xf32>
    %integer_pow3A_428 = arith.mulf %sub3A_426, %sub3A_426 : vector<400x2000xf32>
    %add3A_429 = arith.addf %integer_pow3A_427, %integer_pow3A_428 : vector<400x2000xf32>
    %max3A_430 = arith.constant 9.99999993E-9 : f32
    %max3A_431 = vector.broadcast %max3A_430 : f32 to vector<400x2000xf32>
    %max3A_432 = arith.maximumf %add3A_429, %max3A_431 : vector<400x2000xf32>
    %div3A_433 = arith.divf %add3A_412, %max3A_432 : vector<400x2000xf32>
    %sub3A_434 = arith.subf %div3A_403, %div3A_433 : vector<400x2000xf32>
    %add3A_435 = arith.constant 1200 : i32
    %add3A_436 = vector.broadcast %add3A_435 : i32 to vector<400x2000xi32>
    %add3A_437 = arith.addi %iota3A_142, %add3A_436 : vector<400x2000xi32>
    %lt3A_438 = arith.cmpi slt, %add3A_437, %iota3A : vector<400x2000xi32>
    %jit3A_439 = arith.constant 0.000000e+00 : f32
    %broadcast_in_dim3A_440 = vector.broadcast %jit3A_439 : f32 to vector<400x2000xf32>
    %select_n3A_441 = arith.select %lt3A_438, %sub3A_434, %broadcast_in_dim3A_440 : vector<400x2000xi1>, vector<400x2000xf32>
    %swap3A_442 = arith.constant 1200 : index
    %swap3A_443 = arith.constant 0 : index
    %swap3A_444 = vector.load %arg11[%swap3A_442, %swap3A_443] : memref<2000x2000xf32, #tpu.memory_space<vmem>>, vector<400x2000xf32>
    tpu.vector_store %arg11[%swap3A_442, %swap3A_443], %select_n3A_441 {strides = array<i32>} : memref<2000x2000xf32, #tpu.memory_space<vmem>>, vector<400x2000xf32>,
    %slice3A_445 = vector.extract_strided_slice %slice3A_51 {offsets = [1600, 0], sizes = [400, 1], strides = [1, 1]} : vector<2000x1xf32> to vector<400x1xf32>
    %slice3A_446 = vector.extract_strided_slice %slice3A_52 {offsets = [1600, 0], sizes = [400, 1], strides = [1, 1]} : vector<2000x1xf32> to vector<400x1xf32>
    %slice3A_447 = vector.extract_strided_slice %slice3A_53 {offsets = [1600, 0], sizes = [400, 1], strides = [1, 1]} : vector<2000x1xf32> to vector<400x1xf32>
    %slice3A_448 = vector.extract_strided_slice %slice3A_54 {offsets = [1600, 0], sizes = [400, 1], strides = [1, 1]} : vector<2000x1xf32> to vector<400x1xf32>
    %slice3A_449 = vector.extract_strided_slice %mul3A_57 {offsets = [1600, 0], sizes = [400, 1], strides = [1, 1]} : vector<2000x1xf32> to vector<400x1xf32>
    %slice3A_450 = vector.extract_strided_slice %div3A_61 {offsets = [1600, 0], sizes = [400, 1], strides = [1, 1]} : vector<2000x1xf32> to vector<400x1xf32>
    %slice3A_451 = vector.extract_strided_slice %div3A_65 {offsets = [1600, 0], sizes = [400, 1], strides = [1, 1]} : vector<2000x1xf32> to vector<400x1xf32>
    %min3A_452 = vector.broadcast %slice3A_447 : vector<400x1xf32> to vector<400x2000xf32>
    %min3A_453 = vector.broadcast %slice3A_129 : vector<1x2000xf32> to vector<400x2000xf32>
    %min3A_454 = arith.minimumf %min3A_452, %min3A_453 : vector<400x2000xf32>
    %max3A_455 = vector.broadcast %slice3A_445 : vector<400x1xf32> to vector<400x2000xf32>
    %max3A_456 = vector.broadcast %slice3A_127 : vector<1x2000xf32> to vector<400x2000xf32>
    %max3A_457 = arith.maximumf %max3A_455, %max3A_456 : vector<400x2000xf32>
    %sub3A_458 = arith.subf %min3A_454, %max3A_457 : vector<400x2000xf32>
    %max3A_459 = arith.constant 0.000000e+00 : f32
    %max3A_460 = vector.broadcast %max3A_459 : f32 to vector<400x2000xf32>
    %max3A_461 = arith.maximumf %sub3A_458, %max3A_460 : vector<400x2000xf32>
    %min3A_462 = vector.broadcast %slice3A_448 : vector<400x1xf32> to vector<400x2000xf32>
    %min3A_463 = vector.broadcast %slice3A_130 : vector<1x2000xf32> to vector<400x2000xf32>
    %min3A_464 = arith.minimumf %min3A_462, %min3A_463 : vector<400x2000xf32>
    %max3A_465 = vector.broadcast %slice3A_446 : vector<400x1xf32> to vector<400x2000xf32>
    %max3A_466 = vector.broadcast %slice3A_128 : vector<1x2000xf32> to vector<400x2000xf32>
    %max3A_467 = arith.maximumf %max3A_465, %max3A_466 : vector<400x2000xf32>
    %sub3A_468 = arith.subf %min3A_464, %max3A_467 : vector<400x2000xf32>
    %max3A_469 = arith.constant 0.000000e+00 : f32
    %max3A_470 = vector.broadcast %max3A_469 : f32 to vector<400x2000xf32>
    %max3A_471 = arith.maximumf %sub3A_468, %max3A_470 : vector<400x2000xf32>
    %mul3A_472 = arith.mulf %max3A_461, %max3A_471 : vector<400x2000xf32>
    %add3A_473 = vector.broadcast %slice3A_449 : vector<400x1xf32> to vector<400x2000xf32>
    %add3A_474 = vector.broadcast %mul3A_133 : vector<1x2000xf32> to vector<400x2000xf32>
    %add3A_475 = arith.addf %add3A_473, %add3A_474 : vector<400x2000xf32>
    %sub3A_476 = arith.subf %add3A_475, %mul3A_472 : vector<400x2000xf32>
    %max3A_477 = arith.constant 9.99999993E-9 : f32
    %max3A_478 = vector.broadcast %max3A_477 : f32 to vector<400x2000xf32>
    %max3A_479 = arith.maximumf %sub3A_476, %max3A_478 : vector<400x2000xf32>
    %div3A_480 = arith.divf %mul3A_472, %max3A_479 : vector<400x2000xf32>
    %sub3A_481 = vector.broadcast %slice3A_450 : vector<400x1xf32> to vector<400x2000xf32>
    %sub3A_482 = vector.broadcast %div3A_137 : vector<1x2000xf32> to vector<400x2000xf32>
    %sub3A_483 = arith.subf %sub3A_481, %sub3A_482 : vector<400x2000xf32>
    %integer_pow3A_484 = arith.mulf %sub3A_483, %sub3A_483 : vector<400x2000xf32>
    %sub3A_485 = vector.broadcast %slice3A_451 : vector<400x1xf32> to vector<400x2000xf32>
    %sub3A_486 = vector.broadcast %div3A_141 : vector<1x2000xf32> to vector<400x2000xf32>
    %sub3A_487 = arith.subf %sub3A_485, %sub3A_486 : vector<400x2000xf32>
    %integer_pow3A_488 = arith.mulf %sub3A_487, %sub3A_487 : vector<400x2000xf32>
    %add3A_489 = arith.addf %integer_pow3A_484, %integer_pow3A_488 : vector<400x2000xf32>
    %max3A_490 = vector.broadcast %slice3A_447 : vector<400x1xf32> to vector<400x2000xf32>
    %max3A_491 = vector.broadcast %slice3A_129 : vector<1x2000xf32> to vector<400x2000xf32>
    %max3A_492 = arith.maximumf %max3A_490, %max3A_491 : vector<400x2000xf32>
    %min3A_493 = vector.broadcast %slice3A_445 : vector<400x1xf32> to vector<400x2000xf32>
    %min3A_494 = vector.broadcast %slice3A_127 : vector<1x2000xf32> to vector<400x2000xf32>
    %min3A_495 = arith.minimumf %min3A_493, %min3A_494 : vector<400x2000xf32>
    %sub3A_496 = arith.subf %max3A_492, %min3A_495 : vector<400x2000xf32>
    %max3A_497 = vector.broadcast %slice3A_448 : vector<400x1xf32> to vector<400x2000xf32>
    %max3A_498 = vector.broadcast %slice3A_130 : vector<1x2000xf32> to vector<400x2000xf32>
    %max3A_499 = arith.maximumf %max3A_497, %max3A_498 : vector<400x2000xf32>
    %min3A_500 = vector.broadcast %slice3A_446 : vector<400x1xf32> to vector<400x2000xf32>
    %min3A_501 = vector.broadcast %slice3A_128 : vector<1x2000xf32> to vector<400x2000xf32>
    %min3A_502 = arith.minimumf %min3A_500, %min3A_501 : vector<400x2000xf32>
    %sub3A_503 = arith.subf %max3A_499, %min3A_502 : vector<400x2000xf32>
    %integer_pow3A_504 = arith.mulf %sub3A_496, %sub3A_496 : vector<400x2000xf32>
    %integer_pow3A_505 = arith.mulf %sub3A_503, %sub3A_503 : vector<400x2000xf32>
    %add3A_506 = arith.addf %integer_pow3A_504, %integer_pow3A_505 : vector<400x2000xf32>
    %max3A_507 = arith.constant 9.99999993E-9 : f32
    %max3A_508 = vector.broadcast %max3A_507 : f32 to vector<400x2000xf32>
    %max3A_509 = arith.maximumf %add3A_506, %max3A_508 : vector<400x2000xf32>
    %div3A_510 = arith.divf %add3A_489, %max3A_509 : vector<400x2000xf32>
    %sub3A_511 = arith.subf %div3A_480, %div3A_510 : vector<400x2000xf32>
    %add3A_512 = arith.constant 1600 : i32
    %add3A_513 = vector.broadcast %add3A_512 : i32 to vector<400x2000xi32>
    %add3A_514 = arith.addi %iota3A_142, %add3A_513 : vector<400x2000xi32>
    %lt3A_515 = arith.cmpi slt, %add3A_514, %iota3A : vector<400x2000xi32>
    %jit3A_516 = arith.constant 0.000000e+00 : f32
    %broadcast_in_dim3A_517 = vector.broadcast %jit3A_516 : f32 to vector<400x2000xf32>
    %select_n3A_518 = arith.select %lt3A_515, %sub3A_511, %broadcast_in_dim3A_517 : vector<400x2000xi1>, vector<400x2000xf32>
    %swap3A_519 = arith.constant 1600 : index
    %swap3A_520 = arith.constant 0 : index
    %swap3A_521 = vector.load %arg11[%swap3A_519, %swap3A_520] : memref<2000x2000xf32, #tpu.memory_space<vmem>>, vector<400x2000xf32>
    tpu.vector_store %arg11[%swap3A_519, %swap3A_520], %select_n3A_518 {strides = array<i32>} : memref<2000x2000xf32, #tpu.memory_space<vmem>>, vector<400x2000xf32>,
    %get3A_522 = arith.constant 0 : index
    %get3A_523 = arith.constant 0 : index
    %get3A_524 = vector.load %arg11[%get3A_522, %get3A_523] : memref<2000x2000xf32, #tpu.memory_space<vmem>>, vector<2000x2000xf32>
    %broadcast_in_dim3A_525 = arith.constant 1.000000e+00 : f32
    %broadcast_in_dim3A_526 = vector.broadcast %broadcast_in_dim3A_525 : f32 to vector<2000x1xf32>
    %mul3A_527 = vector.broadcast %broadcast_in_dim3A_526 : vector<2000x1xf32> to vector<2000x2000xf32>
    %mul3A_528 = arith.mulf %get3A_524, %mul3A_527 : vector<2000x2000xf32>
    %reduce_max3A = arith.constant dense<0xFF800000> : vector<2000xf32>
    %reduce_max3A_529 = vector.multi_reduction <maximumf>, %mul3A_528, %reduce_max3A [0] : vector<2000x2000xf32> to vector<2000xf32>
    %broadcast_in_dim3A_530 = vector.shape_cast %reduce_max3A_529 : vector<2000xf32> to vector<1x2000xf32>
    %le3A = arith.constant 5.000000e-01 : f32
    %le3A_531 = vector.broadcast %le3A : f32 to vector<1x2000xf32>
    %le3A_532 = arith.cmpf ole, %broadcast_in_dim3A_530, %le3A_531 : vector<1x2000xf32>
    %convert_element_type3A = arith.extui %le3A_532 : vector<1x2000xi1> to vector<1x2000xi32>
    %convert_element_type3A_533 = arith.sitofp %convert_element_type3A : vector<1x2000xi32> to vector<1x2000xf32>
    %transpose3A = tpu.transpose %convert_element_type3A_533, [1, 0] : vector<1x2000xf32> -> vector<2000x1xf32>
    %mul3A_534 = vector.broadcast %transpose3A : vector<2000x1xf32> to vector<2000x2000xf32>
    %mul3A_535 = arith.mulf %get3A_524, %mul3A_534 : vector<2000x2000xf32>
    %reduce_max3A_536 = arith.constant dense<0xFF800000> : vector<2000xf32>
    %reduce_max3A_537 = vector.multi_reduction <maximumf>, %mul3A_535, %reduce_max3A_536 [0] : vector<2000x2000xf32> to vector<2000xf32>
    %broadcast_in_dim3A_538 = vector.shape_cast %reduce_max3A_537 : vector<2000xf32> to vector<1x2000xf32>
    %le3A_539 = arith.constant 5.000000e-01 : f32
    %le3A_540 = vector.broadcast %le3A_539 : f32 to vector<1x2000xf32>
    %le3A_541 = arith.cmpf ole, %broadcast_in_dim3A_538, %le3A_540 : vector<1x2000xf32>
    %convert_element_type3A_542 = arith.extui %le3A_541 : vector<1x2000xi1> to vector<1x2000xi32>
    %convert_element_type3A_543 = arith.sitofp %convert_element_type3A_542 : vector<1x2000xi32> to vector<1x2000xf32>
    %transpose3A_544 = tpu.transpose %convert_element_type3A_543, [1, 0] : vector<1x2000xf32> -> vector<2000x1xf32>
    %mul3A_545 = vector.broadcast %transpose3A_544 : vector<2000x1xf32> to vector<2000x2000xf32>
    %mul3A_546 = arith.mulf %get3A_524, %mul3A_545 : vector<2000x2000xf32>
    %reduce_max3A_547 = arith.constant dense<0xFF800000> : vector<2000xf32>
    %reduce_max3A_548 = vector.multi_reduction <maximumf>, %mul3A_546, %reduce_max3A_547 [0] : vector<2000x2000xf32> to vector<2000xf32>
    %broadcast_in_dim3A_549 = vector.shape_cast %reduce_max3A_548 : vector<2000xf32> to vector<1x2000xf32>
    %le3A_550 = arith.constant 5.000000e-01 : f32
    %le3A_551 = vector.broadcast %le3A_550 : f32 to vector<1x2000xf32>
    %le3A_552 = arith.cmpf ole, %broadcast_in_dim3A_549, %le3A_551 : vector<1x2000xf32>
    %convert_element_type3A_553 = arith.extui %le3A_552 : vector<1x2000xi1> to vector<1x2000xi32>
    %convert_element_type3A_554 = arith.sitofp %convert_element_type3A_553 : vector<1x2000xi32> to vector<1x2000xf32>
    %transpose3A_555 = tpu.transpose %convert_element_type3A_554, [1, 0] : vector<1x2000xf32> -> vector<2000x1xf32>
    %mul3A_556 = vector.broadcast %transpose3A_555 : vector<2000x1xf32> to vector<2000x2000xf32>
    %mul3A_557 = arith.mulf %get3A_524, %mul3A_556 : vector<2000x2000xf32>
    %reduce_max3A_558 = arith.constant dense<0xFF800000> : vector<2000xf32>
    %reduce_max3A_559 = vector.multi_reduction <maximumf>, %mul3A_557, %reduce_max3A_558 [0] : vector<2000x2000xf32> to vector<2000xf32>
    %broadcast_in_dim3A_560 = vector.shape_cast %reduce_max3A_559 : vector<2000xf32> to vector<1x2000xf32>
    %le3A_561 = arith.constant 5.000000e-01 : f32
    %le3A_562 = vector.broadcast %le3A_561 : f32 to vector<1x2000xf32>
    %le3A_563 = arith.cmpf ole, %broadcast_in_dim3A_560, %le3A_562 : vector<1x2000xf32>
    %convert_element_type3A_564 = arith.extui %le3A_563 : vector<1x2000xi1> to vector<1x2000xi32>
    %convert_element_type3A_565 = arith.sitofp %convert_element_type3A_564 : vector<1x2000xi32> to vector<1x2000xf32>
    %transpose3A_566 = tpu.transpose %convert_element_type3A_565, [1, 0] : vector<1x2000xf32> -> vector<2000x1xf32>
    %mul3A_567 = vector.broadcast %transpose3A_566 : vector<2000x1xf32> to vector<2000x2000xf32>
    %mul3A_568 = arith.mulf %get3A_524, %mul3A_567 : vector<2000x2000xf32>
    %reduce_max3A_569 = arith.constant dense<0xFF800000> : vector<2000xf32>
    %reduce_max3A_570 = vector.multi_reduction <maximumf>, %mul3A_568, %reduce_max3A_569 [0] : vector<2000x2000xf32> to vector<2000xf32>
    %broadcast_in_dim3A_571 = vector.shape_cast %reduce_max3A_570 : vector<2000xf32> to vector<1x2000xf32>
    %le3A_572 = arith.constant 5.000000e-01 : f32
    %le3A_573 = vector.broadcast %le3A_572 : f32 to vector<1x2000xf32>
    %le3A_574 = arith.cmpf ole, %broadcast_in_dim3A_571, %le3A_573 : vector<1x2000xf32>
    %convert_element_type3A_575 = arith.extui %le3A_574 : vector<1x2000xi1> to vector<1x2000xi32>
    %convert_element_type3A_576 = arith.sitofp %convert_element_type3A_575 : vector<1x2000xi32> to vector<1x2000xf32>
    %transpose3A_577 = tpu.transpose %convert_element_type3A_576, [1, 0] : vector<1x2000xf32> -> vector<2000x1xf32>
    %mul3A_578 = vector.broadcast %transpose3A_577 : vector<2000x1xf32> to vector<2000x2000xf32>
    %mul3A_579 = arith.mulf %get3A_524, %mul3A_578 : vector<2000x2000xf32>
    %reduce_max3A_580 = arith.constant dense<0xFF800000> : vector<2000xf32>
    %reduce_max3A_581 = vector.multi_reduction <maximumf>, %mul3A_579, %reduce_max3A_580 [0] : vector<2000x2000xf32> to vector<2000xf32>
    %broadcast_in_dim3A_582 = vector.shape_cast %reduce_max3A_581 : vector<2000xf32> to vector<1x2000xf32>
    %le3A_583 = arith.constant 5.000000e-01 : f32
    %le3A_584 = vector.broadcast %le3A_583 : f32 to vector<1x2000xf32>
    %le3A_585 = arith.cmpf ole, %broadcast_in_dim3A_582, %le3A_584 : vector<1x2000xf32>
    %get3A_586 = arith.constant 0 : index
    %get3A_587 = arith.constant 0 : index
    %get3A_588 = vector.load %arg5[%get3A_586, %get3A_587] : memref<1x2000xf32, #tpu.memory_space<vmem>>, vector<1x2000xf32>
    %ge3A = arith.constant 5.000000e-02 : f32
    %ge3A_589 = vector.broadcast %ge3A : f32 to vector<1x2000xf32>
    %ge3A_590 = arith.cmpf oge, %get3A_588, %ge3A_589 : vector<1x2000xf32>
    %and3A = arith.andi %le3A_585, %ge3A_590 : vector<1x2000xi1>
    %convert_element_type3A_591 = arith.extui %and3A : vector<1x2000xi1> to vector<1x2000xi32>
    %convert_element_type3A_592 = arith.sitofp %convert_element_type3A_591 : vector<1x2000xi32> to vector<1x2000xf32>
    %iota3A_593 = tpu.iota {dimensions = array<i32: 0>} : vector<2000x2000xi32>
    %iota3A_594 = tpu.iota {dimensions = array<i32: 1>} : vector<2000x2000xi32>
    %le3A_595 = arith.cmpi sle, %iota3A_593, %iota3A_594 : vector<2000x2000xi32>
    %jit3A_596 = arith.constant 1.000000e+00 : f32
    %jit3A_597 = arith.constant 0.000000e+00 : f32
    %broadcast_in_dim3A_598 = vector.broadcast %jit3A_596 : f32 to vector<2000x2000xf32>
    %broadcast_in_dim3A_599 = vector.broadcast %jit3A_597 : f32 to vector<2000x2000xf32>
    %select_n3A_600 = arith.select %le3A_595, %broadcast_in_dim3A_598, %broadcast_in_dim3A_599 : vector<2000x2000xi1>, vector<2000x2000xf32>
    %dot_general3A = arith.constant dense<0.000000e+00> : vector<1x2000xf32>
    %dot_general3A_601 = tpu.matmul %convert_element_type3A_592, %select_n3A_600, %dot_general3A {dimension_numbers = #tpu.dot_dimension_numbers<[1], [0], [0], [1], [0, 0, 1, 1], [], []>, transpose_lhs_hint = false} : vector<1x2000xf32>, vector<2000x2000xf32>, vector<1x2000xf32> -> vector<1x2000xf32>
    %sub3A_602 = arith.constant 1.000000e+00 : f32
    %sub3A_603 = vector.broadcast %sub3A_602 : f32 to vector<1x2000xf32>
    %sub3A_604 = arith.subf %dot_general3A_601, %sub3A_603 : vector<1x2000xf32>
    %convert_element_type3A_605 = arith.fptosi %sub3A_604 : vector<1x2000xf32> to vector<1x2000xi32>
    %iota3A_606 = tpu.iota {dimensions = array<i32: 0>} : vector<200x2000xi32>
    %eq3A = vector.broadcast %convert_element_type3A_605 : vector<1x2000xi32> to vector<200x2000xi32>
    %eq3A_607 = arith.cmpi eq, %iota3A_606, %eq3A : vector<200x2000xi32>
    %and3A_608 = vector.broadcast %and3A : vector<1x2000xi1> to vector<200x2000xi1>
    %and3A_609 = arith.andi %eq3A_607, %and3A_608 : vector<200x2000xi1>
    %jit3A_610 = arith.constant 1.000000e+00 : f32
    %jit3A_611 = arith.constant 0.000000e+00 : f32
    %broadcast_in_dim3A_612 = vector.broadcast %jit3A_610 : f32 to vector<200x2000xf32>
    %broadcast_in_dim3A_613 = vector.broadcast %jit3A_611 : f32 to vector<200x2000xf32>
    %select_n3A_614 = arith.select %and3A_609, %broadcast_in_dim3A_612, %broadcast_in_dim3A_613 : vector<200x2000xi1>, vector<200x2000xf32>
    %get3A_615 = arith.constant 0 : index
    %get3A_616 = arith.constant 0 : index
    %get3A_617 = vector.load %arg9[%get3A_615, %get3A_616] : memref<1x1xf32, #tpu.memory_space<vmem>>, vector<1x1xf32>
    %mul3A_618 = vector.broadcast %get3A_617 : vector<1x1xf32> to vector<2000x1xf32>
    %mul3A_619 = arith.mulf %slice3A_51, %mul3A_618 : vector<2000x1xf32>
    %mul3A_620 = vector.broadcast %get3A_617 : vector<1x1xf32> to vector<2000x1xf32>
    %mul3A_621 = arith.mulf %slice3A_52, %mul3A_620 : vector<2000x1xf32>
    %sub3A_622 = arith.subf %slice3A_53, %slice3A_51 : vector<2000x1xf32>
    %mul3A_623 = vector.broadcast %get3A_617 : vector<1x1xf32> to vector<2000x1xf32>
    %mul3A_624 = arith.mulf %sub3A_622, %mul3A_623 : vector<2000x1xf32>
    %sub3A_625 = arith.subf %slice3A_54, %slice3A_52 : vector<2000x1xf32>
    %mul3A_626 = vector.broadcast %get3A_617 : vector<1x1xf32> to vector<2000x1xf32>
    %mul3A_627 = arith.mulf %sub3A_625, %mul3A_626 : vector<2000x1xf32>
    %get3A_628 = arith.constant 0 : index
    %get3A_629 = arith.constant 0 : index
    %get3A_630 = vector.load %arg4[%get3A_628, %get3A_629] : memref<2000x1xf32, #tpu.memory_space<vmem>>, vector<2000x1xf32>
    %get3A_631 = arith.constant 0 : index
    %get3A_632 = arith.constant 0 : index
    %get3A_633 = vector.load %arg6[%get3A_631, %get3A_632] : memref<2000x1xf32, #tpu.memory_space<vmem>>, vector<2000x1xf32>
    %concatenate3A_634 = tpu.concatenate %mul3A_619, %mul3A_621, %mul3A_624, %mul3A_627, %get3A_630, %get3A_633 in 1 : vector<2000x1xf32>, vector<2000x1xf32>, vector<2000x1xf32>, vector<2000x1xf32>, vector<2000x1xf32>, vector<2000x1xf32> -> vector<2000x6xf32>
    %dot_general3A_635 = arith.constant dense<0.000000e+00> : vector<200x6xf32>
    %dot_general3A_636 = tpu.matmul %select_n3A_614, %concatenate3A_634, %dot_general3A_635 {dimension_numbers = #tpu.dot_dimension_numbers<[1], [0], [0], [1], [0, 0, 1, 1], [], []>, precision = #tpu.contract_precision<fp32>, transpose_lhs_hint = false} : vector<200x2000xf32>, vector<2000x6xf32>, vector<200x6xf32> -> vector<200x6xf32>
    %swap3A_637 = arith.constant 0 : index
    %swap3A_638 = arith.constant 0 : index
    %swap3A_639 = vector.load %arg10[%swap3A_637, %swap3A_638] : memref<200x6xf32, #tpu.memory_space<vmem>>, vector<200x6xf32>
    tpu.vector_store %arg10[%swap3A_637, %swap3A_638], %dot_general3A_636 {strides = array<i32>} : memref<200x6xf32, #tpu.memory_space<vmem>>, vector<200x6xf32>,
    return
  }
}

</mosaic_0001>

<sc_bundles>
// kernel: gather_offload_async_start.1
scs
__scs_entry_jumppad:
0x0: {  	(pc) =	sbr.rel $0x88, $3  }
0x1: {  	(tag) =	ssettag $0x0;
	lr =	simm.s32 $0x1  }
0x2: {  	[smem:$0x3F9B] =	sst lr;
	_ =	strace $0xD0000000  }
0x3: {  	_ = 	snop  }
0x4: {  	_ = 	snop  }
0x5: {  	_ = 	snop  }
0x6: {  	_ = 	snop  }
0x7: {  	_ = 	snop  }
__scs_overlays_trampoline_lowered:
0x8: {  	[smem:$0x3FAA] =	sst s0  }
0x9: {  	[smem:$0x3FAB] =	sst s1  }
0xa: {  	[smem:$0x3FAC] =	sst s2  }
0xb: {  	[smem:$0x3FAD] =	sst s3  }
0xc: {  	[smem:$0x3FAE] =	sst s4  }
0xd: {  	[smem:$0x3FAF] =	sst s5  }
0xe: {  	[smem:$0x3FB0] =	sst s6  }
0xf: {  	[smem:$0x3FB1] =	sst s7  }
0x10: {  	[smem:$0x3FB2] =	sst s8  }
0x11: {  	[smem:$0x3FB3] =	sst s9;
	s0 =	simm.s32 @!p0 $0x0  }
0x12: {  	s1 =	sld [smem:$0x3F99];
	s0 =	simm.s32 @p0 $0x1  }
0x13: {  	[smem:$0x3FB4] =	sst s0;
	s0 =	simm.s32 @!p1 $0x0  }
0x14: {  	s2 =	sld [smem:$0x3F98];
	s0 =	simm.s32 @p1 $0x1  }
0x15: {  	[smem:$0x3FB5] =	sst s0;
	s0 =	simm.s32 @!p2 $0x0  }
0x16: {  	s3 =	sld [smem:$0x3FDB];
	s0 =	simm.s32 @p2 $0x1  }
0x17: {  	s4 =	simm.s32 $0x1BF5;
	[smem:$0x3FB7] =	sst s0  }
0x18: {  	s0 =	sld [smem:$0x3F9A];
	_ =	swait.ge [sflag:s4], $0x0  }
0x19: {  	s7 =	sld [smem:$0x3F9B]  }
0x1a: {  	s8 =	sadd.s32 $0xFFFFE003, lr  }
0x1b: {  	s9 =	sadd.s32 $0xFFFFFEF7, lr;
	s5 =	simm.s32 $0xFFFFFFFF;
	p2 =	slt.u32 s8, $0xFFFFF086  }
0x1c: {  	p1 =	slt.u32 s9, $0xF7A;
	s5 =	simm.s32 @!p2 $0x0  }
0x1d: {  	s5 =	simm.s32 @p1 $0x1;
	p0 =	seq.s32 s7, s2  }
0x1e: {  	s7 =	smul.u32 @!p0 $0xF7A, s2;
	p2 =	seq.s32 @!p0 s5, $0x0  }
0x1f: {  	s9 =	smul.u32 $0xF7A, s1;
	s8 =	simm.s32 @!p0 $0x1BF5;
	p2 =	por !p2, p0  }
0x20: {  	[sflag:s8] =	ssyncset.s32 @!p0 $0xFFFFF086;
	s6 =	sadd.s32 @!p0 s3, s7;
	s7 =	simm.s32 @!p0 $0x108  }
0x21: {  	s3 =	sadd.s32 s3, s9;
	s6 =	sadd.s32 @!p0 $0x88, s6;
	s7 =	simm.s32 @p2 $0x1082  }
0x22: {  	[simem:s7], [sflag:s8] =	dma.local @!p0 [hbm:s6], $0xF7A  }
0x23: {  	s9 =	sor.u32 $0xD0000000, s2;
	s6 =	simm.s32 $0x108;
	_ =	swait.ge @!p0 [sflag:s8], $0x0  }
0x24: {  	s3 =	sadd.s32 $0x88, s3;
	s6 =	simm.s32 @!p1 $0x1082;
	[sflag:s4] =	ssyncset.s32 $0xFFFFF086  }
0x25: {  	[simem:s6], [sflag:s4] =	dma.local [hbm:s3], $0xF7A  }
0x26: {  	[smem:$0x3F9B] =	sst s1;
	(tag) =	ssettag s2;
	_ =	strace s9  }
0x27: {  	s1 =	sld [smem:$0x3FAB]  }
0x28: {  	s2 =	sld [smem:$0x3FAC]  }
0x29: {  	s4 =	sld [smem:$0x3FAE]  }
0x2a: {  	p0 =	seq.s32 s5, $0x0;
	s5 =	sld [smem:$0x3FAF]  }
0x2b: {  	s6 =	sld [smem:$0x3FB0]  }
0x2c: {  	s7 =	sld [smem:$0x3FB1]  }
0x2d: {  	s3 =	simm.s32 $0x108;
	s8 =	sld [smem:$0x3FB2]  }
0x2e: {  	s3 =	simm.s32 @!p0 $0x1082;
	s9 =	sld [smem:$0x3FB3]  }
0x2f: {  	lr =	sadd.s32 s0, s3;
	s0 =	sld [smem:$0x3FAA]  }
0x30: {  	s3 =	sld [smem:$0x3FAD]  }
0x31: {  	[smem:$0x3FB6] =	sst s10  }
0x32: {  	s10 =	sld [smem:$0x3FB4];
	_ =	sdelay $0x3  }
0x33: {  	p0 =	seq.s32 s10, $0x1;
	s10 =	sld [smem:$0x3FB6];
	_ =	sdelay $0x3  }
0x34: {  	[smem:$0x3FB6] =	sst s10  }
0x35: {  	s10 =	sld [smem:$0x3FB5];
	_ =	sdelay $0x3  }
0x36: {  	p1 =	seq.s32 s10, $0x1;
	s10 =	sld [smem:$0x3FB6];
	_ =	sdelay $0x3  }
0x37: {  	[smem:$0x3FB6] =	sst s10  }
0x38: {  	s10 =	sld [smem:$0x3FB7]  }
0x39: {  	_ = 	snop;
	(pc) =	sbr.ind lr, $3  }
0x3a: {  	_ = 	snop  }
0x3b: {  	_ = 	snop  }
0x3c: {  	p2 =	seq.s32 s10, $0x1;
	s10 =	sld [smem:$0x3FB6]  }
0x3d: {  	_ =	shalt  }
0x3e: {  	_ =	shalt  }
0x3f: {  	_ =	shalt  }
0x40: {  	_ =	shalt  }
0x41: {  	_ =	shalt  }
0x42: {  	_ =	shalt  }
0x43: {  	_ =	shalt  }
0x44: {  	_ =	shalt  }
0x45: {  	_ =	shalt  }
0x46: {  	_ =	shalt  }
0x47: {  	_ =	shalt  }
0x48: {  	_ =	shalt  }
0x49: {  	_ =	shalt  }
0x4a: {  	_ =	shalt  }
0x4b: {  	_ =	shalt  }
0x4c: {  	_ =	shalt  }
0x4d: {  	_ =	shalt  }
0x4e: {  	_ =	shalt  }
0x4f: {  	_ =	shalt  }
0x50: {  	_ =	shalt  }
0x51: {  	_ =	shalt  }
0x52: {  	_ =	shalt  }
0x53: {  	_ =	shalt  }
0x54: {  	_ =	shalt  }
0x55: {  	_ =	shalt  }
0x56: {  	_ =	shalt  }
0x57: {  	_ =	shalt  }
0x58: {  	_ =	shalt  }
0x59: {  	_ =	shalt  }
0x5a: {  	_ =	shalt  }
0x5b: {  	_ =	shalt  }
0x5c: {  	_ =	shalt  }
0x5d: {  	_ =	shalt  }
0x5e: {  	_ =	shalt  }
0x5f: {  	_ =	shalt  }
0x60: {  	_ =	shalt  }
0x61: {  	_ =	shalt  }
0x62: {  	_ =	shalt  }
0x63: {  	_ =	shalt  }
0x64: {  	_ =	shalt  }
0x65: {  	_ =	shalt  }
0x66: {  	_ =	shalt  }
0x67: {  	_ =	shalt  }
0x68: {  	_ =	shalt  }
0x69: {  	_ =	shalt  }
0x6a: {  	_ =	shalt  }
0x6b: {  	_ =	shalt  }
0x6c: {  	_ =	shalt  }
0x6d: {  	_ =	shalt  }
0x6e: {  	_ =	shalt  }
0x6f: {  	_ =	shalt  }
0x70: {  	_ =	shalt  }
0x71: {  	_ =	shalt  }
0x72: {  	_ =	shalt  }
0x73: {  	_ =	shalt  }
0x74: {  	_ =	shalt  }
0x75: {  	_ =	shalt  }
0x76: {  	_ =	shalt  }
0x77: {  	_ =	shalt  }
0x78: {  	_ =	shalt  }
0x79: {  	_ =	shalt  }
0x7a: {  	_ =	shalt  }
0x7b: {  	_ =	shalt  }
0x7c: {  	_ =	shalt  }
0x7d: {  	_ =	shalt  }
0x7e: {  	_ =	shalt  }
0x7f: {  	_ =	shalt  }
0x80: {  	_ =	shalt  }
0x81: {  	_ =	shalt  }
0x82: {  	_ =	shalt  }
0x83: {  	_ =	shalt  }
0x84: {  	_ =	shalt  }
0x85: {  	_ =	shalt  }
0x86: {  	_ =	shalt  }
0x87: {  	_ =	shalt  }
.Lfunc_end0:
.L_simem_size_0:
called_computation.1_lowered:
.L_overlay_start_0:
0x88: {  	s0 =	sld [smem:$0x3FD9]  }
0x89: {  	s1 =	sld [smem:$0x3FFE];
	_ =	sdelay $0x3  }
0x8a: {  	s0 =	sadd.s32 s1, s0  }
0x8b: {  	[smem:$0x3FC2] =	sst s0  }
0x8c: {  	_ = 	snop  }
0x8d: {  	s0 =	sld [smem:$0x3FC6]  }
0x8e: {  	s16 =	sld [smem:$0x3FD0];
	(tm) =	ssettm $0x1  }
0x8f: {  	s2 =	sld [smem:$0x3FFB];
	_ =	sdelay $0x3  }
0x90: {  	_ =	strace s2  }
0x91: {  	s2 =	sld [smem:$0x3FFC];
	_ =	sdelay $0x3  }
0x92: {  	_ =	strace s2  }
0x93: {  	s2 =	sld [smem:$0x3FFD];
	_ =	sdelay $0x3  }
0x94: {  	_ =	strace s2  }
0x95: {  	_ =	strace $0x8FFFFFFF  }
0x96: {  	s17 =	sld [smem:$0x3FDB];
	_ =	sdelay $0x1  }
0x97: {  	s3 =	simm.s32 $_scs_section_size  }
0x98: {  	s4 =	simm.s32 $_size__tile_overlayer_lowered;
	s5 =	simm.s32 $_tile_overlayer_lowered  }
0x99: {  	s20 =	simm.s32 $0x1BFF;
	s19 =	sshll.u32 s5, $0x1;
	s2 =	sadd.s32 s3, s17  }
0x9a: {  	s6 =	simm.s32 $0x0;
	s18 =	sshll.u32 s4, $0x1;
	s4 =	sadd.s32 s19, s2  }
0x9b: {  	[timem:s6], [sflag:s20] =	dma.local [hbm:s4], s18  }
0x9c: {  	_ =	swait.ge [sflag:s20], s18  }
0x9d: {  	s3 =	ssub.s32 $0x0, s18;
	[sflag:s20] =	ssyncset.done $0x0  }
0x9e: {  	[sflag:s20] =	ssyncadd.s32 s3;
	_ =	sdelay $0x1  }
0x9f: {  	s21 =	simm.s32 $0x1B8B  }
0xa0: {  	_ =	swait.ge [sflag:s21], $0x1  }
0xa1: {  	[sflag:s21] =	ssyncset.done $0x0  }
0xa2: {  	s23 =	simm.s32 $0x1B8E;
	s22 =	sld [smem:$0x3FFE];
	[sflag:s21] =	ssyncadd.s32 $0xFFFFFFFF  }
0xa3: {  	s24 =	simm.s32 $execute0_lowered;
	[smem:$0x3FD2] =	sst s23  }
0xa4: {  	s4 =	sshll.u32 s24, $0x1;
	_ =	strace $0x80000046;
	[dreg:$0x1] =	wrdreg $0xFFFFFFFF  }
0xa5: {  	s25 =	simm.s32 $_size_execute0_lowered;
	s2 =	sadd.s32 s2, s4;
	[dreg:$0x0] =	wrdreg $0x0  }
0xa6: {  	s4 =	sshll.u32 s25, $0x1;
	[dreg:$0x2] =	wrdreg s2  }
0xa7: {  	[dreg:$0x3] =	wrdreg s4  }
0xa8: {  	[dreg:$0x4] =	wrdreg $0xC0  }
0xa9: {  	_ =	task [dreg:s6], $0x5FFFF  }
0xaa: {  	[dreg:$0x1] =	wrdreg $0xFFFFFFFF  }
0xab: {  	[dreg:$0x0] =	wrdreg $0x60  }
0xac: {  	[dreg:$0x2] =	wrdreg s0  }
0xad: {  	[dreg:$0x3] =	wrdreg s16  }
0xae: {  	[dreg:$0x4] =	wrdreg s22  }
0xaf: {  	[dreg:$0x5] =	wrdreg $0xA  }
0xb0: {  	_ =	task.clear_ibuf [dreg:s6], $0x6FFFF;
	_ =	strace $0x90000046  }
0xb1: {  	s26 =	simm.s32 $0xA;
	_ =	strace $0x80000048  }
0xb2: {  	_ =	swait.ge [sflag:s26], $0x1  }
0xb3: {  	[sflag:s26] =	ssyncadd.s32 $0xFFFFFFFF  }
0xb4: {  	_ =	strace $0x90000048  }
0xb5: {  	_ =	sfence  }
0xb6: {  	s28 =	sld [smem:$0x0];
	_ =	sdelay $0x1  }
0xb7: {  	s29 =	srdreg.scid  }
0xb8: {  	s30 =	sshll.u32 s29, $0xD;
	s31 =	sshrl.u32 s29, $0x2  }
0xb9: {  	s1 =	sand.u32 $0x1, s29;
	s2 =	sand.u32 $0x4000, s30;
	s0 =	sadd.s32 s31, s28  }
0xba: {  	s1 =	sor.u32 s2, s1;
	s0 =	sshll.u32 s0, $0x11  }
0xbb: {  	s0 =	sor.u32 s0, s1  }
0xbc: {  	s0 =	sadd.s32 $0x8F2B, s0  }
0xbd: {  	[sflag:s0] =	ssyncadd.remote.s32 $0x1  }
0xbe: {  	_ =	sfence.sel $0xFFFF  }
0xbf: {  	[dreg:$0x0] =	wrdreg $0xFFFFFFFF;
	(pc) =	sbr.abs _section_cstart, $3  }
0xc0: {  	[dreg:$0x1] =	wrdreg $0xFFFFFFFF  }
0xc1: {  	_ =	task.clear_ibuf [dreg:s6], $0x2FFFF;
	_ =	strace $0x9FFFFFFF  }
0xc2: {  	(tm) =	ssettm $0x7FFFFFFF  }
0xc3: {  	_ =	shalt  }
tec
execute0_lowered:
.L_overlay_start_1:
0x0: {  	(tag) =	ssettag $0x1  }
0x1: {  	s2 =	rddreg [dreg:$0x0]  }
0x2: {  	s3 =	rddreg [dreg:$0x1]  }
0x3: {  	s8 =	rddreg [dreg:$0x2]  }
0x4: {  	s0 =	rddreg [dreg:$0x3];
	s1 =	stileid.u32;
	_ =	strace $0x80000047  }
0x5: {  	s5 =	simm.s32 $0x1;
	s6 =	simm.s32 $0x500;
	s9 =	simm.s32 $0x1  }
0x6: {  	s10 =	simm.s32 $0x3;
	s13 =	simm.s32 $0x0;
	s4 =	smul.u32 $0x50, s1  }
0x7: {  	s12 =	simm.s32 $0x0;
	p0 =	slt.u32 s1, $0xA;
	[sflag:s5] =	ssyncpa.u1 $0x0  }
.Ltmp0:
0x8: {  	s6 =	simm.s32 @!p0 $0x0;
	s7 =	ssub.s32 $0x7D0, s4;
	(pc) =	sbr.rel .LBB2_1-.Ltmp0, $4  }
0x9: {  	s9 =	simm.s32 @!p0 $0x0;
	p0 =	sne.s32 s7, s6;
	s7 =	simm.s32 $0x1  }
0xa: {  	s8 =	sadd.s32 $0xA4A00, s8;
	s6 =	simm.s32 $0x2;
	s7 =	simm.s32 @!p0 $0x0  }
0xb: {  	s11 =	smov.u32 s4;
	[sflag:s6] =	ssyncpa.u1 $0x0;
	s7 =	sadd.s32 s9, s7  }
0xc: {  	vm0 =	vmmov $0xffff;
	[sflag:s10] =	ssyncpa.u1 $0x0;
	s10 =	simm.s32 $0x0;
	s9 =	sadd.s32 $0x1, s7  }
.LBB2_4:
0xd: {  	v2 =	vnsel vm1, $0x0, v2  }
0xe: {  	vm1 =	vgt.s32 v0, $0x0;
	v2 =	vmin.u32 v2, $0x4E1F  }
0xf: {  	v0 =	vnsel vm1, $0x0, v0  }
0x10: {  	v0 =	vmin.u32 v0, $0x4E1F  }
0x11: {  	[tilespmem:s18], [sflag:$0x1] =	stream.indirect_vreg.gather [hbm4b:s2+s10], $0x1, v1, vm0, $0x4038;
	[tilespmem:$0x140] =	vst v63  }
0x12: {  	(ifvalue) =	ssetifvalue $0x7FFFFFFF  }
0x13: {  	[tilespmem:s15], [sflag:$0x1] =	stream.indirect_vreg.gather [hbm4b:s2+s10], $0x1, v2, vm0, $0x4038;
	[tilespmem:$0x140] =	vst v63  }
0x14: {  	s29 =	sadd.s32 $0x10, s15;
	(ifvalue) =	ssetifvalue $0x7FFFFFFF  }
0x15: {  	[tilespmem:s29], [sflag:$0x1] =	stream.indirect_vreg.gather [hbm4b:s2+s10], $0x1, v0, vm0, $0x4038;
	[tilespmem:$0x140] =	vst v63  }
0x16: {  	_ =	swait.ge [sflag:s5], $0x50  }
0x17: {  	s30 =	sshrl.u32 s13, $0x3;
	[sflag:s5] =	ssyncset.done $0x0  }
0x18: {  	s31 =	sand.u32 $0x7, s13;
	s15 =	sadd.s32 s8, s30;
	[sflag:s5] =	ssyncadd.s32 $0xFFFFFFB0  }
0x19: {  	[hbm4b:s15+s31] =	stream.linear.scatter [tilespmem:s14], [sflag:$0x3], $0x50, $0x38;
	[tilespmem:$0x140] =	vst v63  }
.LBB2_5:
0x1a: {  	s15 =	sadd.s32 $0x500, s11  }
0x1b: {  	p1 =	sgt.s32 s15, $0x7CF  }
0x1c: {  	s15 =	smov.u32 @p1 s4;
	p1 =	sne.s32 s12, s9  }
.Ltmp1:
0x1d: {  	p0 =	slt.u32 s12, $0x2;
	(pc) =	sbr.rel @!p1 .LBB2_6-.Ltmp1, $4  }
0x1e: {  	s14 =	simm.s32 @!p0 $0x3  }
0x1f: {  	_ =	swait.ge @!p0 [sflag:s14], $0x50  }
0x20: {  	s16 =	sadd.s32 $0x1, s12;
	s13 =	smov.u32 s11;
	[sflag:s14] =	ssyncset.done @!p0 $0x0  }
0x21: {  	s12 =	smov.u32 s16;
	s11 =	smov.u32 s15;
	[sflag:s14] =	ssyncadd.s32 @!p0 $0xFFFFFFB0  }
.LBB2_1:
0x22: {  	p0 =	sge.u32 s12, s7  }
0x23: {  	s14 =	sxor.u32 @!p0 $0x1, s12  }
0x24: {  	s14 =	smul.u32 @!p0 $0x140, s14  }
0x25: {  	s31 =	sadd.s32 $0xFFFFFFFF, s12;
	s15 =	sshrl.u32 @!p0 s11, $0x3  }
0x26: {  	s16 =	sand.u32 @!p0 $0x7, s11;
	s15 =	sadd.s32 @!p0 s3, s15;
	s14 =	sshra.s32 @!p0 s14, $0x2  }
0x27: {  	[tilespmem:s14], [sflag:$0x2] =	stream.linear.gather @!p0 [hbm4b:s15+s16], $0x50, $0x38;
	[tilespmem:$0x140] =	vst v63  }
0x28: {  	p0 =	sge.u32 s31, s7  }
.Ltmp2:
0x29: {  	_ = 	snop;
	(pc) =	sbr.rel @p0 .LBB2_5-.Ltmp2, $1  }
0x2a: {  	_ =	sdelay $0x3  }
0x2b: {  	s14 =	sand.u32 $0x1, s12  }
0x2c: {  	_ =	swait.ge [sflag:s6], $0x50;
	p0 =	seq.s32 s14, $0x1;
	s14 =	simm.s32 $0x50  }
0x2d: {  	[sflag:s6] =	ssyncset.done $0x0;
	s14 =	simm.s32 @!p0 $0x0  }
0x2e: {  	[sflag:s6] =	ssyncadd.s32 $0xFFFFFFB0;
	(ifvalue) =	ssetifvalue $0x7FFFFFFF;
	v0 =	vld.msk [tilespmem:s14+$0x0 ss:$0x1], $0xffff;
	_ =	sdelay $0x4  }
0x2f: {  	s15 =	sadd.s32 $0x10, s14;
	vm1 =	vgt.s32 v0, $0x0  }
0x30: {  	v2 =	vld.msk [tilespmem:s15+$0x0 ss:$0x1], $0xffff;
	v1 =	vnsel vm1, $0x0, v0  }
0x31: {  	v1 =	vmin.u32 v1, $0x4E1F;
	_ =	sdelay $0x2  }
0x32: {  	s17 =	simm.s32 $0x20;
	s14 =	sor.u32 $0xA0, s14;
	s16 =	sadd.s32 $0x10, s15  }
0x33: {  	s15 =	sadd.s32 $0x10, s14;
	s18 =	smov.u32 s14;
	v0 =	vld.msk [tilespmem:s16+$0x0 ss:$0x1], $0xffff;
	vm1 =	vgt.s32 v2, $0x0;
	(ifvalue) =	ssetifvalue $0x7FFFFFFF  }
.LBB2_3:
0x34: {  	[tilespmem:s18], [sflag:$0x1] =	stream.indirect_vreg.gather [hbm4b:s2+s10], $0x1, v1, vm0, $0x4038;
	[tilespmem:$0x140] =	vst v63  }
0x35: {  	s17 =	sadd.s32 $0x10, s17  }
0x36: {  	v2 =	vnsel vm1, $0x0, v2;
	p0 =	slt.u32 s17, $0x40  }
.Ltmp3:
0x37: {  	s18 =	smov.u32 s15;
	v1 =	vmin.u32 v2, $0x4E1F;
	(pc) =	sbr.rel @p0 .LBB2_3-.Ltmp3, $3  }
0x38: {  	_ =	sdelay $0x1  }
0x39: {  	s16 =	sadd.s32 $0x10, s16  }
0x3a: {  	vm1 =	vgt.s32 v0, $0x0;
	s15 =	sadd.s32 $0x10, s15;
	v2 =	vmov v0;
	(ifvalue) =	ssetifvalue $0x7FFFFFFF;
	v0 =	vld.msk [tilespmem:s16+$0x0 ss:$0x1], $0xffff  }
.Ltmp4:
0x3b: {  	_ = 	snop;
	(pc) =	sbr.rel .LBB2_4-.Ltmp4, $1  }
0x3c: {  	_ =	sdelay $0x3  }
.LBB2_6:
0x3d: {  	_ =	sfence.sel $0x180000  }
0x3e: {  	s2 =	simm.s32 $0x2;
	[bflag:$0x0] =	sbarrier.arrive $0xFFFF  }
0x3f: {  	s30 =	simm.s32 $0x3;
	[sflag:s2] =	ssyncpa.u1 $0x1  }
0x40: {  	s31 =	simm.s32 $0x1;
	[sflag:s30] =	ssyncpa.u1 $0x1  }
0x41: {  	[sflag:s31] =	ssyncpa.u1 $0x1  }
0x42: {  	p0 =	sne.s32 s1, $0x0;
	_ =	strace $0x90000047  }
0x43: {  	s0 =	sadd.s32 @!p0 $0x100000, s0;
	[bflag:$0x2] =	sbarrier.arrive $0xFFFF  }
0x44: {  	[sflag:s0] =	ssyncadd.tile.s32 @!p0 $0x1;
	_ =	shalt  }
.Lfunc_end2:
_tile_overlayer_lowered:
.L_overlay_start_2:
0x45: {  	(tag) =	ssettag $0x2  }
0x46: {  	s0 =	rddreg [dreg:$0x0];
	s2 =	stileid.u32  }
0x47: {  	s1 =	rddreg [dreg:$0x1];
	p0 =	sne.s32 s2, $0x0  }
0x48: {  	s3 =	rddreg [dreg:$0x2];
	[bflag:$0x3] =	sbarrier.arrive $0xFFFF;
	s2 =	simm.s32 @!p0 $0x1C01  }
0x49: {  	[timem:s3], [sflag:s2] =	dma.local @!p0 [hbm:s0], s1  }
0x4a: {  	s0 =	simm.s32 @!p0 $0x1  }
0x4b: {  	_ =	swait.ge @!p0 [sflag:s0], s1  }
0x4c: {  	s1 =	ssub.s32 @!p0 $0x0, s1;
	[sflag:s0] =	ssyncset.done @!p0 $0x0  }
0x4d: {  	[sflag:s0] =	ssyncadd.s32 @!p0 s1  }
0x4e: {  	[bflag:$0x3] =	sbarrier.arrive $0xFFFF  }
0x4f: {  	_ =	shalt  }

// kernel: gather_offload_async_start.2
scs
__scs_entry_jumppad:
0x0: {  	(pc) =	sbr.rel $0x88, $3  }
0x1: {  	(tag) =	ssettag $0x0;
	lr =	simm.s32 $0x1  }
0x2: {  	[smem:$0x3F9B] =	sst lr;
	_ =	strace $0xD0000000  }
0x3: {  	_ = 	snop  }
0x4: {  	_ = 	snop  }
0x5: {  	_ = 	snop  }
0x6: {  	_ = 	snop  }
0x7: {  	_ = 	snop  }
__scs_overlays_trampoline_lowered:
0x8: {  	[smem:$0x3FAA] =	sst s0  }
0x9: {  	[smem:$0x3FAB] =	sst s1  }
0xa: {  	[smem:$0x3FAC] =	sst s2  }
0xb: {  	[smem:$0x3FAD] =	sst s3  }
0xc: {  	[smem:$0x3FAE] =	sst s4  }
0xd: {  	[smem:$0x3FAF] =	sst s5  }
0xe: {  	[smem:$0x3FB0] =	sst s6  }
0xf: {  	[smem:$0x3FB1] =	sst s7  }
0x10: {  	[smem:$0x3FB2] =	sst s8  }
0x11: {  	[smem:$0x3FB3] =	sst s9;
	s0 =	simm.s32 @!p0 $0x0  }
0x12: {  	s1 =	sld [smem:$0x3F99];
	s0 =	simm.s32 @p0 $0x1  }
0x13: {  	[smem:$0x3FB4] =	sst s0;
	s0 =	simm.s32 @!p1 $0x0  }
0x14: {  	s2 =	sld [smem:$0x3F98];
	s0 =	simm.s32 @p1 $0x1  }
0x15: {  	[smem:$0x3FB5] =	sst s0;
	s0 =	simm.s32 @!p2 $0x0  }
0x16: {  	s3 =	sld [smem:$0x3FDB];
	s0 =	simm.s32 @p2 $0x1  }
0x17: {  	s4 =	simm.s32 $0x1BF5;
	[smem:$0x3FB7] =	sst s0  }
0x18: {  	s0 =	sld [smem:$0x3F9A];
	_ =	swait.ge [sflag:s4], $0x0  }
0x19: {  	s7 =	sld [smem:$0x3F9B]  }
0x1a: {  	s8 =	sadd.s32 $0xFFFFE003, lr  }
0x1b: {  	s9 =	sadd.s32 $0xFFFFFEF7, lr;
	s5 =	simm.s32 $0xFFFFFFFF;
	p2 =	slt.u32 s8, $0xFFFFF086  }
0x1c: {  	p1 =	slt.u32 s9, $0xF7A;
	s5 =	simm.s32 @!p2 $0x0  }
0x1d: {  	s5 =	simm.s32 @p1 $0x1;
	p0 =	seq.s32 s7, s2  }
0x1e: {  	s7 =	smul.u32 @!p0 $0xF7A, s2;
	p2 =	seq.s32 @!p0 s5, $0x0  }
0x1f: {  	s9 =	smul.u32 $0xF7A, s1;
	s8 =	simm.s32 @!p0 $0x1BF5;
	p2 =	por !p2, p0  }
0x20: {  	[sflag:s8] =	ssyncset.s32 @!p0 $0xFFFFF086;
	s6 =	sadd.s32 @!p0 s3, s7;
	s7 =	simm.s32 @!p0 $0x108  }
0x21: {  	s3 =	sadd.s32 s3, s9;
	s6 =	sadd.s32 @!p0 $0x88, s6;
	s7 =	simm.s32 @p2 $0x1082  }
0x22: {  	[simem:s7], [sflag:s8] =	dma.local @!p0 [hbm:s6], $0xF7A  }
0x23: {  	s9 =	sor.u32 $0xD0000000, s2;
	s6 =	simm.s32 $0x108;
	_ =	swait.ge @!p0 [sflag:s8], $0x0  }
0x24: {  	s3 =	sadd.s32 $0x88, s3;
	s6 =	simm.s32 @!p1 $0x1082;
	[sflag:s4] =	ssyncset.s32 $0xFFFFF086  }
0x25: {  	[simem:s6], [sflag:s4] =	dma.local [hbm:s3], $0xF7A  }
0x26: {  	[smem:$0x3F9B] =	sst s1;
	(tag) =	ssettag s2;
	_ =	strace s9  }
0x27: {  	s1 =	sld [smem:$0x3FAB]  }
0x28: {  	s2 =	sld [smem:$0x3FAC]  }
0x29: {  	s4 =	sld [smem:$0x3FAE]  }
0x2a: {  	p0 =	seq.s32 s5, $0x0;
	s5 =	sld [smem:$0x3FAF]  }
0x2b: {  	s6 =	sld [smem:$0x3FB0]  }
0x2c: {  	s7 =	sld [smem:$0x3FB1]  }
0x2d: {  	s3 =	simm.s32 $0x108;
	s8 =	sld [smem:$0x3FB2]  }
0x2e: {  	s3 =	simm.s32 @!p0 $0x1082;
	s9 =	sld [smem:$0x3FB3]  }
0x2f: {  	lr =	sadd.s32 s0, s3;
	s0 =	sld [smem:$0x3FAA]  }
0x30: {  	s3 =	sld [smem:$0x3FAD]  }
0x31: {  	[smem:$0x3FB6] =	sst s10  }
0x32: {  	s10 =	sld [smem:$0x3FB4];
	_ =	sdelay $0x3  }
0x33: {  	p0 =	seq.s32 s10, $0x1;
	s10 =	sld [smem:$0x3FB6];
	_ =	sdelay $0x3  }
0x34: {  	[smem:$0x3FB6] =	sst s10  }
0x35: {  	s10 =	sld [smem:$0x3FB5];
	_ =	sdelay $0x3  }
0x36: {  	p1 =	seq.s32 s10, $0x1;
	s10 =	sld [smem:$0x3FB6];
	_ =	sdelay $0x3  }
0x37: {  	[smem:$0x3FB6] =	sst s10  }
0x38: {  	s10 =	sld [smem:$0x3FB7]  }
0x39: {  	_ = 	snop;
	(pc) =	sbr.ind lr, $3  }
0x3a: {  	_ = 	snop  }
0x3b: {  	_ = 	snop  }
0x3c: {  	p2 =	seq.s32 s10, $0x1;
	s10 =	sld [smem:$0x3FB6]  }
0x3d: {  	_ =	shalt  }
0x3e: {  	_ =	shalt  }
0x3f: {  	_ =	shalt  }
0x40: {  	_ =	shalt  }
0x41: {  	_ =	shalt  }
0x42: {  	_ =	shalt  }
0x43: {  	_ =	shalt  }
0x44: {  	_ =	shalt  }
0x45: {  	_ =	shalt  }
0x46: {  	_ =	shalt  }
0x47: {  	_ =	shalt  }
0x48: {  	_ =	shalt  }
0x49: {  	_ =	shalt  }
0x4a: {  	_ =	shalt  }
0x4b: {  	_ =	shalt  }
0x4c: {  	_ =	shalt  }
0x4d: {  	_ =	shalt  }
0x4e: {  	_ =	shalt  }
0x4f: {  	_ =	shalt  }
0x50: {  	_ =	shalt  }
0x51: {  	_ =	shalt  }
0x52: {  	_ =	shalt  }
0x53: {  	_ =	shalt  }
0x54: {  	_ =	shalt  }
0x55: {  	_ =	shalt  }
0x56: {  	_ =	shalt  }
0x57: {  	_ =	shalt  }
0x58: {  	_ =	shalt  }
0x59: {  	_ =	shalt  }
0x5a: {  	_ =	shalt  }
0x5b: {  	_ =	shalt  }
0x5c: {  	_ =	shalt  }
0x5d: {  	_ =	shalt  }
0x5e: {  	_ =	shalt  }
0x5f: {  	_ =	shalt  }
0x60: {  	_ =	shalt  }
0x61: {  	_ =	shalt  }
0x62: {  	_ =	shalt  }
0x63: {  	_ =	shalt  }
0x64: {  	_ =	shalt  }
0x65: {  	_ =	shalt  }
0x66: {  	_ =	shalt  }
0x67: {  	_ =	shalt  }
0x68: {  	_ =	shalt  }
0x69: {  	_ =	shalt  }
0x6a: {  	_ =	shalt  }
0x6b: {  	_ =	shalt  }
0x6c: {  	_ =	shalt  }
0x6d: {  	_ =	shalt  }
0x6e: {  	_ =	shalt  }
0x6f: {  	_ =	shalt  }
0x70: {  	_ =	shalt  }
0x71: {  	_ =	shalt  }
0x72: {  	_ =	shalt  }
0x73: {  	_ =	shalt  }
0x74: {  	_ =	shalt  }
0x75: {  	_ =	shalt  }
0x76: {  	_ =	shalt  }
0x77: {  	_ =	shalt  }
0x78: {  	_ =	shalt  }
0x79: {  	_ =	shalt  }
0x7a: {  	_ =	shalt  }
0x7b: {  	_ =	shalt  }
0x7c: {  	_ =	shalt  }
0x7d: {  	_ =	shalt  }
0x7e: {  	_ =	shalt  }
0x7f: {  	_ =	shalt  }
0x80: {  	_ =	shalt  }
0x81: {  	_ =	shalt  }
0x82: {  	_ =	shalt  }
0x83: {  	_ =	shalt  }
0x84: {  	_ =	shalt  }
0x85: {  	_ =	shalt  }
0x86: {  	_ =	shalt  }
0x87: {  	_ =	shalt  }
.Lfunc_end0:
.L_simem_size_0:
called_computation.2_lowered:
.L_overlay_start_0:
0x88: {  	s0 =	sld [smem:$0x3FD9]  }
0x89: {  	s1 =	sld [smem:$0x3FFE];
	_ =	sdelay $0x3  }
0x8a: {  	s0 =	sadd.s32 s1, s0  }
0x8b: {  	[smem:$0x3FC2] =	sst s0  }
0x8c: {  	_ = 	snop  }
0x8d: {  	(tm) =	ssettm $0x1  }
0x8e: {  	s15 =	sld [smem:$0x3FFB];
	_ =	sdelay $0x3  }
0x8f: {  	_ =	strace s15  }
0x90: {  	s0 =	sld [smem:$0x3FFC];
	_ =	sdelay $0x3  }
0x91: {  	_ =	strace s0  }
0x92: {  	s0 =	sld [smem:$0x3FFD];
	_ =	sdelay $0x3  }
0x93: {  	_ =	strace s0  }
0x94: {  	_ =	strace $0x8FFFFFFF  }
0x95: {  	s16 =	sld [smem:$0x3FDB];
	_ =	sdelay $0x1  }
0x96: {  	s17 =	simm.s32 $_scs_section_size  }
0x97: {  	s2 =	simm.s32 $_size__tile_overlayer_lowered;
	s3 =	simm.s32 $_tile_overlayer_lowered  }
0x98: {  	s20 =	simm.s32 $0x1BFF;
	s19 =	sshll.u32 s3, $0x1;
	s0 =	sadd.s32 s17, s16  }
0x99: {  	s4 =	simm.s32 $0x0;
	s18 =	sshll.u32 s2, $0x1;
	s2 =	sadd.s32 s19, s0  }
0x9a: {  	[timem:s4], [sflag:s20] =	dma.local [hbm:s2], s18  }
0x9b: {  	_ =	swait.ge [sflag:s20], s18  }
0x9c: {  	s1 =	ssub.s32 $0x0, s18;
	[sflag:s20] =	ssyncset.done $0x0  }
0x9d: {  	[sflag:s20] =	ssyncadd.s32 s1;
	_ =	sdelay $0x1  }
0x9e: {  	s21 =	simm.s32 $0x1B8B  }
0x9f: {  	_ =	swait.ge [sflag:s21], $0x1  }
0xa0: {  	[sflag:s21] =	ssyncset.done $0x0  }
0xa1: {  	s23 =	simm.s32 $0x1B8E;
	s22 =	sld [smem:$0x3FFE];
	[sflag:s21] =	ssyncadd.s32 $0xFFFFFFFF  }
0xa2: {  	s24 =	simm.s32 $execute0_lowered;
	[smem:$0x3FD2] =	sst s23  }
0xa3: {  	s2 =	sshll.u32 s24, $0x1;
	_ =	strace $0x8000004F;
	[dreg:$0x1] =	wrdreg $0xFFFFFFFF  }
0xa4: {  	s25 =	simm.s32 $_size_execute0_lowered;
	s0 =	sadd.s32 s0, s2;
	[dreg:$0x0] =	wrdreg $0x0  }
0xa5: {  	s2 =	sshll.u32 s25, $0x1;
	[dreg:$0x2] =	wrdreg s0  }
0xa6: {  	[dreg:$0x3] =	wrdreg s2  }
0xa7: {  	[dreg:$0x4] =	wrdreg $0xC0  }
0xa8: {  	_ =	task [dreg:s4], $0x5FFFF  }
0xa9: {  	[dreg:$0x1] =	wrdreg $0xFFFFFFFF  }
0xaa: {  	[dreg:$0x0] =	wrdreg $0x60  }
0xab: {  	[dreg:$0x2] =	wrdreg s22  }
0xac: {  	[dreg:$0x3] =	wrdreg $0xB  }
0xad: {  	_ =	task.clear_ibuf [dreg:s4], $0x4FFFF;
	_ =	strace $0x9000004F  }
0xae: {  	s26 =	simm.s32 $0xB;
	_ =	strace $0x80000051  }
0xaf: {  	_ =	swait.ge [sflag:s26], $0x1  }
0xb0: {  	[sflag:s26] =	ssyncadd.s32 $0xFFFFFFFF  }
0xb1: {  	_ =	strace $0x90000051  }
0xb2: {  	_ =	sfence  }
0xb3: {  	s28 =	sld [smem:$0x0];
	_ =	sdelay $0x1  }
0xb4: {  	s29 =	srdreg.scid  }
0xb5: {  	s30 =	sshll.u32 s29, $0xD;
	s31 =	sshrl.u32 s29, $0x2  }
0xb6: {  	s1 =	sand.u32 $0x1, s29;
	s2 =	sand.u32 $0x4000, s30;
	s0 =	sadd.s32 s31, s28  }
0xb7: {  	s1 =	sor.u32 s2, s1;
	s0 =	sshll.u32 s0, $0x11  }
0xb8: {  	s0 =	sor.u32 s0, s1  }
0xb9: {  	s0 =	sadd.s32 $0x8F2B, s0  }
0xba: {  	[sflag:s0] =	ssyncadd.remote.s32 $0x1  }
0xbb: {  	_ =	sfence.sel $0xFFFF  }
0xbc: {  	[dreg:$0x0] =	wrdreg $0xFFFFFFFF;
	(pc) =	sbr.abs _section_cstart, $3  }
0xbd: {  	[dreg:$0x1] =	wrdreg $0xFFFFFFFF  }
0xbe: {  	_ =	task.clear_ibuf [dreg:s4], $0x2FFFF;
	_ =	strace $0x9FFFFFFF  }
0xbf: {  	(tm) =	ssettm $0x7FFFFFFF  }
tec
execute0_lowered:
.L_overlay_start_1:
0x0: {  	(tag) =	ssettag $0x1  }
0x1: {  	s0 =	stileid.u32  }
0x2: {  	s1 =	smin.u32 s0, $0x9  }
0x3: {  	s1 =	sadd.s32 s0, s1  }
0x4: {  	p0 =	slt.u32 s0, $0x9;
	s2 =	smul.u32 $0x50, s1;
	s1 =	simm.s32 $0xA0  }
0x5: {  	s1 =	simm.s32 @!p0 $0x50  }
0x6: {  	s1 =	sadd.s32 s1, s2  }
0x7: {  	s3 =	smin.u32 s1, $0x7D0  }
0x8: {  	s7 =	ssub.s32 s3, s2  }
0x9: {  	p0 =	sgt.s32 s7, $0x0  }
0xa: {  	s7 =	simm.s32 @!p0 $0x0  }
0xb: {  	s31 =	smul.u32 $0xCCCD, s7  }
0xc: {  	s4 =	rddreg [dreg:$0x0];
	s6 =	simm.s32 $0x1  }
0xd: {  	s10 =	simm.s32 $0x3;
	s13 =	simm.s32 $0x0;
	s8 =	sshrl.u32 s31, $0x16  }
0xe: {  	s12 =	simm.s32 $0x0;
	s5 =	sadd.s32 $0xA4A00, s4;
	s9 =	smul.u32 $0x50, s8  }
.Ltmp0:
0xf: {  	s11 =	smov.u32 s2;
	s1 =	rddreg [dreg:$0x1];
	(pc) =	sbr.rel .LBB2_1-.Ltmp0, $4  }
0x10: {  	_ =	strace $0x80000050;
	p0 =	sne.s32 s7, s9;
	s9 =	simm.s32 $0x1  }
0x11: {  	[sflag:s6] =	ssyncpa.u1 $0x0;
	s7 =	simm.s32 $0x2;
	s9 =	simm.s32 @!p0 $0x0  }
0x12: {  	[sflag:s7] =	ssyncpa.u1 $0x0;
	p0 =	por $0x0, $0x0;
	s8 =	sadd.s32 s8, s9  }
0x13: {  	vm0 =	vmmov $0xff;
	vm1 =	vcmask $0x3F20;
	s9 =	sadd.s32 $0xAD600, s4;
	[sflag:s10] =	ssyncpa.u1 $0x0;
	s10 =	sadd.s32 $0x1, s8  }
.LBB2_6:
0x14: {  	[hbm:s17] =	stream.linear.scatter [tilespmem:s14], [sflag:$0x3], $0x400, $0x38;
	[tilespmem:$0x50A0] =	vst v63  }
.LBB2_7:
0x15: {  	s13 =	sadd.s32 $0x50, s11  }
0x16: {  	s15 =	smov.u32 s2;
	p2 =	slt.s32 s13, s3  }
0x17: {  	s15 =	smov.u32 @p2 s13;
	p2 =	sne.s32 s12, s10  }
.Ltmp1:
0x18: {  	p1 =	slt.u32 s12, $0x2;
	(pc) =	sbr.rel @!p2 .LBB2_8-.Ltmp1, $4  }
0x19: {  	s14 =	simm.s32 @!p1 $0x3  }
0x1a: {  	s16 =	sadd.s32 $0x1, s12;
	_ =	swait.ge @!p1 [sflag:s14], $0x2800  }
0x1b: {  	p0 =	por !p0, !p0;
	s13 =	smov.u32 s11;
	[sflag:s14] =	ssyncset.done @!p1 $0x0  }
0x1c: {  	s12 =	smov.u32 s16;
	s11 =	smov.u32 s15;
	[sflag:s14] =	ssyncadd.s32 @!p1 $0xFFFFD800  }
.LBB2_1:
0x1d: {  	p1 =	sge.u32 s12, s8  }
0x1e: {  	s14 =	sxor.u32 @!p1 $0xFFFFFFFF, s12  }
0x1f: {  	s14 =	sand.u32 @!p1 $0x1, s14  }
0x20: {  	s14 =	smul.u32 @!p1 $0x140, s14  }
0x21: {  	s31 =	sadd.s32 $0xFFFFFFFF, s12;
	s15 =	sshrl.u32 @!p1 s11, $0x3  }
0x22: {  	s16 =	sand.u32 @!p1 $0x7, s11;
	s15 =	sadd.s32 @!p1 s5, s15;
	s14 =	sshrl.u32 @!p1 s14, $0x2  }
0x23: {  	[tilespmem:s14], [sflag:$0x2] =	stream.linear.gather @!p1 [hbm4b:s15+s16], $0x50, $0x38;
	[tilespmem:$0x50A0] =	vst v63  }
0x24: {  	p1 =	sge.u32 s31, s8  }
.Ltmp2:
0x25: {  	_ = 	snop;
	(pc) =	sbr.rel @p1 .LBB2_7-.Ltmp2, $1  }
0x26: {  	_ =	sdelay $0x3  }
0x27: {  	s14 =	simm.s32 $0x1  }
0x28: {  	s14 =	simm.s32 @!p0 $0x0  }
0x29: {  	s15 =	smul.u32 $0x140, s14  }
0x2a: {  	_ =	swait.ge [sflag:s7], $0x50  }
0x2b: {  	[sflag:s7] =	ssyncset.done $0x0;
	s16 =	sshrl.u32 s15, $0x2  }
0x2c: {  	[sflag:s7] =	ssyncadd.s32 $0xFFFFFFB0;
	s15 =	sadd.s32 $0x0, s16  }
0x2d: {  	v0 =	vld.msk [tilespmem:s15+$0x0 ss:$0x1], $0xffff;
	_ =	sdelay $0x4  }
0x2e: {  	vm2 =	vgt.s32 v0, $0x0  }
0x2f: {  	v0 =	vnsel vm2, $0x0, v0  }
0x30: {  	v0 =	vmin.u32 v0, $0x4E1F  }
0x31: {  	v0 =	vshll.u32 v0, $0x4  }
0x32: {  	s14 =	smul.u32 $0xA000, s14;
	_ =	sdelay $0x1  }
0x33: {  	s14 =	sshrl.u32 s14, $0x2  }
0x34: {  	s14 =	sor.u32 $0xA0, s14  }
0x35: {  	[tilespmem:s14], [sflag:$0x1] =	stream.indirect_vreg.gather [hbm:s4], $0x80, v0, vm0, $0x38;
	[tilespmem:$0x50A0] =	vst v63  }
0x36: {  	s17 =	sadd.s32 $0x10, s16;
	s15 =	sadd.s32 $0x400, s14  }
0x37: {  	[tilespmem:s15], [sflag:$0x1] =	stream.indirect_vreg.gather [hbm:s4], $0x80, v0, vm1, $0x38;
	[tilespmem:$0x50A0] =	vst v63  }
0x38: {  	s18 =	simm.s32 $0x80;
	v0 =	vld.msk [tilespmem:s17+$0x0 ss:$0x1], $0xffff;
	s17 =	smov.u32 s14  }
.LBB2_3:
0x39: {  	p1 =	sne.s32 s18, $0x100;
	_ =	sdelay $0x4  }
0x3a: {  	vm2 =	vgt.s32 v0, $0x0  }
0x3b: {  	v0 =	vnsel vm2, $0x0, v0  }
0x3c: {  	v0 =	vmin.u32 v0, $0x4E1F  }
0x3d: {  	v0 =	vshll.u32 v0, $0x4;
	_ =	sdelay $0x3  }
.Ltmp3:
0x3e: {  	s19 =	sshra.s32 s18, $0x2;
	s17 =	sadd.s32 $0x800, s17;
	(pc) =	sbr.rel @p1 .LBB2_3-.Ltmp3, $4  }
0x3f: {  	[tilespmem:s17], [sflag:$0x1] =	stream.indirect_vreg.gather [hbm:s4], $0x80, v0, vm0, $0x38;
	[tilespmem:$0x50A0] =	vst v63  }
0x40: {  	s19 =	sadd.s32 s19, s16;
	s20 =	sadd.s32 $0x400, s17  }
0x41: {  	[tilespmem:s20], [sflag:$0x1] =	stream.indirect_vreg.gather [hbm:s4], $0x80, v0, vm1, $0x38;
	[tilespmem:$0x50A0] =	vst v63  }
0x42: {  	s18 =	sadd.s32 $0x40, s18;
	v0 =	vld.msk [tilespmem:s19+$0x0 ss:$0x1], $0xffff  }
0x43: {  	_ =	sdelay $0x3  }
0x44: {  	vm2 =	vgt.s32 v0, $0x0  }
0x45: {  	v0 =	vnsel vm2, $0x0, v0  }
0x46: {  	v0 =	vmin.u32 v0, $0x4E1F  }
0x47: {  	v0 =	vshll.u32 v0, $0x4;
	_ =	sdelay $0x3  }
0x48: {  	s16 =	sadd.s32 $0x800, s17  }
0x49: {  	[tilespmem:s16], [sflag:$0x1] =	stream.indirect_vreg.gather [hbm:s4], $0x80, v0, vm0, $0x38;
	[tilespmem:$0x50A0] =	vst v63  }
0x4a: {  	s16 =	sadd.s32 $0x400, s16  }
0x4b: {  	[tilespmem:s16], [sflag:$0x1] =	stream.indirect_vreg.gather [hbm:s4], $0x80, v0, vm1, $0x38;
	[tilespmem:$0x50A0] =	vst v63  }
0x4c: {  	s13 =	sshll.u32 s13, $0x4;
	_ =	swait.ge [sflag:s6], $0x2800  }
0x4d: {  	s13 =	sadd.s32 s13, s9;
	[sflag:s6] =	ssyncset.done $0x0  }
0x4e: {  	s17 =	sadd.s32 $0x0, s13;
	s16 =	simm.s32 $0x80;
	[sflag:s6] =	ssyncadd.s32 $0xFFFFD800  }
.LBB2_5:
0x4f: {  	[hbm:s17] =	stream.linear.scatter [tilespmem:s14], [sflag:$0x3], $0x400, $0x38;
	[tilespmem:$0x50A0] =	vst v63  }
0x50: {  	s17 =	smov.u32 s16;
	s14 =	smov.u32 s15;
	p1 =	sne.s32 s16, $0x480  }
.Ltmp4:
0x51: {  	s16 =	sadd.s32 $0x80, s16;
	(pc) =	sbr.rel @p1 .LBB2_5-.Ltmp4, $2  }
0x52: {  	_ =	sdelay $0x2  }
0x53: {  	s15 =	sadd.s32 $0x400, s15;
	s17 =	sadd.s32 s17, s13  }
.Ltmp5:
0x54: {  	_ = 	snop;
	(pc) =	sbr.rel .LBB2_6-.Ltmp5, $1  }
0x55: {  	_ =	sdelay $0x3  }
.LBB2_8:
0x56: {  	_ =	sfence.sel $0x180000  }
0x57: {  	s2 =	simm.s32 $0x2;
	[bflag:$0x0] =	sbarrier.arrive $0xFFFF  }
0x58: {  	s30 =	simm.s32 $0x3;
	[sflag:s2] =	ssyncpa.u1 $0x1  }
0x59: {  	s31 =	simm.s32 $0x1;
	[sflag:s30] =	ssyncpa.u1 $0x1  }
0x5a: {  	[sflag:s31] =	ssyncpa.u1 $0x1  }
0x5b: {  	p0 =	sne.s32 s0, $0x0;
	_ =	strace $0x90000050  }
0x5c: {  	s0 =	sadd.s32 @!p0 $0x100000, s1;
	[bflag:$0x2] =	sbarrier.arrive $0xFFFF  }
0x5d: {  	[sflag:s0] =	ssyncadd.tile.s32 @!p0 $0x1;
	_ =	shalt  }
.Lfunc_end2:
_tile_overlayer_lowered:
.L_overlay_start_2:
0x5e: {  	(tag) =	ssettag $0x2  }
0x5f: {  	s0 =	rddreg [dreg:$0x0];
	s2 =	stileid.u32  }
0x60: {  	s1 =	rddreg [dreg:$0x1];
	p0 =	sne.s32 s2, $0x0  }
0x61: {  	s3 =	rddreg [dreg:$0x2];
	[bflag:$0x3] =	sbarrier.arrive $0xFFFF;
	s2 =	simm.s32 @!p0 $0x1C01  }
0x62: {  	[timem:s3], [sflag:s2] =	dma.local @!p0 [hbm:s0], s1  }
0x63: {  	s0 =	simm.s32 @!p0 $0x1  }
0x64: {  	_ =	swait.ge @!p0 [sflag:s0], s1  }
0x65: {  	s1 =	ssub.s32 @!p0 $0x0, s1;
	[sflag:s0] =	ssyncset.done @!p0 $0x0  }
0x66: {  	[sflag:s0] =	ssyncadd.s32 @!p0 s1  }
0x67: {  	[bflag:$0x3] =	sbarrier.arrive $0xFFFF  }
0x68: {  	_ =	shalt  }

// kernel: gather_offload_async_start.3
scs
__scs_entry_jumppad:
0x0: {  	(pc) =	sbr.rel $0x88, $3  }
0x1: {  	(tag) =	ssettag $0x0;
	lr =	simm.s32 $0x1  }
0x2: {  	[smem:$0x3F9B] =	sst lr;
	_ =	strace $0xD0000000  }
0x3: {  	_ = 	snop  }
0x4: {  	_ = 	snop  }
0x5: {  	_ = 	snop  }
0x6: {  	_ = 	snop  }
0x7: {  	_ = 	snop  }
__scs_overlays_trampoline_lowered:
0x8: {  	[smem:$0x3FAA] =	sst s0  }
0x9: {  	[smem:$0x3FAB] =	sst s1  }
0xa: {  	[smem:$0x3FAC] =	sst s2  }
0xb: {  	[smem:$0x3FAD] =	sst s3  }
0xc: {  	[smem:$0x3FAE] =	sst s4  }
0xd: {  	[smem:$0x3FAF] =	sst s5  }
0xe: {  	[smem:$0x3FB0] =	sst s6  }
0xf: {  	[smem:$0x3FB1] =	sst s7  }
0x10: {  	[smem:$0x3FB2] =	sst s8  }
0x11: {  	[smem:$0x3FB3] =	sst s9;
	s0 =	simm.s32 @!p0 $0x0  }
0x12: {  	s1 =	sld [smem:$0x3F99];
	s0 =	simm.s32 @p0 $0x1  }
0x13: {  	[smem:$0x3FB4] =	sst s0;
	s0 =	simm.s32 @!p1 $0x0  }
0x14: {  	s2 =	sld [smem:$0x3F98];
	s0 =	simm.s32 @p1 $0x1  }
0x15: {  	[smem:$0x3FB5] =	sst s0;
	s0 =	simm.s32 @!p2 $0x0  }
0x16: {  	s3 =	sld [smem:$0x3FDB];
	s0 =	simm.s32 @p2 $0x1  }
0x17: {  	s4 =	simm.s32 $0x1BF5;
	[smem:$0x3FB7] =	sst s0  }
0x18: {  	s0 =	sld [smem:$0x3F9A];
	_ =	swait.ge [sflag:s4], $0x0  }
0x19: {  	s7 =	sld [smem:$0x3F9B]  }
0x1a: {  	s8 =	sadd.s32 $0xFFFFE003, lr  }
0x1b: {  	s9 =	sadd.s32 $0xFFFFFEF7, lr;
	s5 =	simm.s32 $0xFFFFFFFF;
	p2 =	slt.u32 s8, $0xFFFFF086  }
0x1c: {  	p1 =	slt.u32 s9, $0xF7A;
	s5 =	simm.s32 @!p2 $0x0  }
0x1d: {  	s5 =	simm.s32 @p1 $0x1;
	p0 =	seq.s32 s7, s2  }
0x1e: {  	s7 =	smul.u32 @!p0 $0xF7A, s2;
	p2 =	seq.s32 @!p0 s5, $0x0  }
0x1f: {  	s9 =	smul.u32 $0xF7A, s1;
	s8 =	simm.s32 @!p0 $0x1BF5;
	p2 =	por !p2, p0  }
0x20: {  	[sflag:s8] =	ssyncset.s32 @!p0 $0xFFFFF086;
	s6 =	sadd.s32 @!p0 s3, s7;
	s7 =	simm.s32 @!p0 $0x108  }
0x21: {  	s3 =	sadd.s32 s3, s9;
	s6 =	sadd.s32 @!p0 $0x88, s6;
	s7 =	simm.s32 @p2 $0x1082  }
0x22: {  	[simem:s7], [sflag:s8] =	dma.local @!p0 [hbm:s6], $0xF7A  }
0x23: {  	s9 =	sor.u32 $0xD0000000, s2;
	s6 =	simm.s32 $0x108;
	_ =	swait.ge @!p0 [sflag:s8], $0x0  }
0x24: {  	s3 =	sadd.s32 $0x88, s3;
	s6 =	simm.s32 @!p1 $0x1082;
	[sflag:s4] =	ssyncset.s32 $0xFFFFF086  }
0x25: {  	[simem:s6], [sflag:s4] =	dma.local [hbm:s3], $0xF7A  }
0x26: {  	[smem:$0x3F9B] =	sst s1;
	(tag) =	ssettag s2;
	_ =	strace s9  }
0x27: {  	s1 =	sld [smem:$0x3FAB]  }
0x28: {  	s2 =	sld [smem:$0x3FAC]  }
0x29: {  	s4 =	sld [smem:$0x3FAE]  }
0x2a: {  	p0 =	seq.s32 s5, $0x0;
	s5 =	sld [smem:$0x3FAF]  }
0x2b: {  	s6 =	sld [smem:$0x3FB0]  }
0x2c: {  	s7 =	sld [smem:$0x3FB1]  }
0x2d: {  	s3 =	simm.s32 $0x108;
	s8 =	sld [smem:$0x3FB2]  }
0x2e: {  	s3 =	simm.s32 @!p0 $0x1082;
	s9 =	sld [smem:$0x3FB3]  }
0x2f: {  	lr =	sadd.s32 s0, s3;
	s0 =	sld [smem:$0x3FAA]  }
0x30: {  	s3 =	sld [smem:$0x3FAD]  }
0x31: {  	[smem:$0x3FB6] =	sst s10  }
0x32: {  	s10 =	sld [smem:$0x3FB4];
	_ =	sdelay $0x3  }
0x33: {  	p0 =	seq.s32 s10, $0x1;
	s10 =	sld [smem:$0x3FB6];
	_ =	sdelay $0x3  }
0x34: {  	[smem:$0x3FB6] =	sst s10  }
0x35: {  	s10 =	sld [smem:$0x3FB5];
	_ =	sdelay $0x3  }
0x36: {  	p1 =	seq.s32 s10, $0x1;
	s10 =	sld [smem:$0x3FB6];
	_ =	sdelay $0x3  }
0x37: {  	[smem:$0x3FB6] =	sst s10  }
0x38: {  	s10 =	sld [smem:$0x3FB7]  }
0x39: {  	_ = 	snop;
	(pc) =	sbr.ind lr, $3  }
0x3a: {  	_ = 	snop  }
0x3b: {  	_ = 	snop  }
0x3c: {  	p2 =	seq.s32 s10, $0x1;
	s10 =	sld [smem:$0x3FB6]  }
0x3d: {  	_ =	shalt  }
0x3e: {  	_ =	shalt  }
0x3f: {  	_ =	shalt  }
0x40: {  	_ =	shalt  }
0x41: {  	_ =	shalt  }
0x42: {  	_ =	shalt  }
0x43: {  	_ =	shalt  }
0x44: {  	_ =	shalt  }
0x45: {  	_ =	shalt  }
0x46: {  	_ =	shalt  }
0x47: {  	_ =	shalt  }
0x48: {  	_ =	shalt  }
0x49: {  	_ =	shalt  }
0x4a: {  	_ =	shalt  }
0x4b: {  	_ =	shalt  }
0x4c: {  	_ =	shalt  }
0x4d: {  	_ =	shalt  }
0x4e: {  	_ =	shalt  }
0x4f: {  	_ =	shalt  }
0x50: {  	_ =	shalt  }
0x51: {  	_ =	shalt  }
0x52: {  	_ =	shalt  }
0x53: {  	_ =	shalt  }
0x54: {  	_ =	shalt  }
0x55: {  	_ =	shalt  }
0x56: {  	_ =	shalt  }
0x57: {  	_ =	shalt  }
0x58: {  	_ =	shalt  }
0x59: {  	_ =	shalt  }
0x5a: {  	_ =	shalt  }
0x5b: {  	_ =	shalt  }
0x5c: {  	_ =	shalt  }
0x5d: {  	_ =	shalt  }
0x5e: {  	_ =	shalt  }
0x5f: {  	_ =	shalt  }
0x60: {  	_ =	shalt  }
0x61: {  	_ =	shalt  }
0x62: {  	_ =	shalt  }
0x63: {  	_ =	shalt  }
0x64: {  	_ =	shalt  }
0x65: {  	_ =	shalt  }
0x66: {  	_ =	shalt  }
0x67: {  	_ =	shalt  }
0x68: {  	_ =	shalt  }
0x69: {  	_ =	shalt  }
0x6a: {  	_ =	shalt  }
0x6b: {  	_ =	shalt  }
0x6c: {  	_ =	shalt  }
0x6d: {  	_ =	shalt  }
0x6e: {  	_ =	shalt  }
0x6f: {  	_ =	shalt  }
0x70: {  	_ =	shalt  }
0x71: {  	_ =	shalt  }
0x72: {  	_ =	shalt  }
0x73: {  	_ =	shalt  }
0x74: {  	_ =	shalt  }
0x75: {  	_ =	shalt  }
0x76: {  	_ =	shalt  }
0x77: {  	_ =	shalt  }
0x78: {  	_ =	shalt  }
0x79: {  	_ =	shalt  }
0x7a: {  	_ =	shalt  }
0x7b: {  	_ =	shalt  }
0x7c: {  	_ =	shalt  }
0x7d: {  	_ =	shalt  }
0x7e: {  	_ =	shalt  }
0x7f: {  	_ =	shalt  }
0x80: {  	_ =	shalt  }
0x81: {  	_ =	shalt  }
0x82: {  	_ =	shalt  }
0x83: {  	_ =	shalt  }
0x84: {  	_ =	shalt  }
0x85: {  	_ =	shalt  }
0x86: {  	_ =	shalt  }
0x87: {  	_ =	shalt  }
.Lfunc_end0:
.L_simem_size_0:
called_computation.3_lowered:
.L_overlay_start_0:
0x88: {  	s0 =	sld [smem:$0x3FD9]  }
0x89: {  	s1 =	sld [smem:$0x3FFE];
	_ =	sdelay $0x3  }
0x8a: {  	s0 =	sadd.s32 s1, s0  }
0x8b: {  	[smem:$0x3FC2] =	sst s0  }
0x8c: {  	_ = 	snop  }
0x8d: {  	s0 =	sld [smem:$0x3FD0];
	(tm) =	ssettm $0x1  }
0x8e: {  	s16 =	sld [smem:$0x3FFB];
	_ =	sdelay $0x3  }
0x8f: {  	_ =	strace s16  }
0x90: {  	s1 =	sld [smem:$0x3FFC];
	_ =	sdelay $0x3  }
0x91: {  	_ =	strace s1  }
0x92: {  	s1 =	sld [smem:$0x3FFD];
	_ =	sdelay $0x3  }
0x93: {  	_ =	strace s1  }
0x94: {  	_ =	strace $0x8FFFFFFF  }
0x95: {  	s17 =	sld [smem:$0x3FDB];
	_ =	sdelay $0x1  }
0x96: {  	s2 =	simm.s32 $_scs_section_size  }
0x97: {  	s3 =	simm.s32 $_size__tile_overlayer_lowered;
	s4 =	simm.s32 $_tile_overlayer_lowered  }
0x98: {  	s20 =	simm.s32 $0x1BFF;
	s19 =	sshll.u32 s4, $0x1;
	s1 =	sadd.s32 s2, s17  }
0x99: {  	s5 =	simm.s32 $0x0;
	s18 =	sshll.u32 s3, $0x1;
	s3 =	sadd.s32 s19, s1  }
0x9a: {  	[timem:s5], [sflag:s20] =	dma.local [hbm:s3], s18  }
0x9b: {  	_ =	swait.ge [sflag:s20], s18  }
0x9c: {  	s2 =	ssub.s32 $0x0, s18;
	[sflag:s20] =	ssyncset.done $0x0  }
0x9d: {  	[sflag:s20] =	ssyncadd.s32 s2;
	_ =	sdelay $0x1  }
0x9e: {  	s21 =	simm.s32 $0x1B8B  }
0x9f: {  	_ =	swait.ge [sflag:s21], $0x1  }
0xa0: {  	[sflag:s21] =	ssyncset.done $0x0  }
0xa1: {  	s23 =	simm.s32 $0x1B8E;
	s22 =	sld [smem:$0x3FFE];
	[sflag:s21] =	ssyncadd.s32 $0xFFFFFFFF  }
0xa2: {  	s24 =	simm.s32 $execute0_lowered;
	[smem:$0x3FD2] =	sst s23  }
0xa3: {  	s3 =	sshll.u32 s24, $0x1;
	_ =	strace $0x80000049;
	[dreg:$0x1] =	wrdreg $0xFFFFFFFF  }
0xa4: {  	s25 =	simm.s32 $_size_execute0_lowered;
	s1 =	sadd.s32 s1, s3;
	[dreg:$0x0] =	wrdreg $0x0  }
0xa5: {  	s3 =	sshll.u32 s25, $0x1;
	[dreg:$0x2] =	wrdreg s1  }
0xa6: {  	[dreg:$0x3] =	wrdreg s3  }
0xa7: {  	[dreg:$0x4] =	wrdreg $0xC0  }
0xa8: {  	_ =	task [dreg:s5], $0x5FFFF  }
0xa9: {  	[dreg:$0x1] =	wrdreg $0xFFFFFFFF  }
0xaa: {  	[dreg:$0x0] =	wrdreg $0x60  }
0xab: {  	[dreg:$0x2] =	wrdreg s22  }
0xac: {  	[dreg:$0x3] =	wrdreg s0  }
0xad: {  	[dreg:$0x4] =	wrdreg $0x9  }
0xae: {  	_ =	task.clear_ibuf [dreg:s5], $0x5FFFF;
	_ =	strace $0x90000049  }
0xaf: {  	s26 =	simm.s32 $0x9;
	_ =	strace $0x8000004B  }
0xb0: {  	_ =	swait.ge [sflag:s26], $0x1  }
0xb1: {  	[sflag:s26] =	ssyncadd.s32 $0xFFFFFFFF  }
0xb2: {  	_ =	strace $0x9000004B  }
0xb3: {  	_ =	sfence  }
0xb4: {  	s28 =	sld [smem:$0x0];
	_ =	sdelay $0x1  }
0xb5: {  	s29 =	srdreg.scid  }
0xb6: {  	s30 =	sshll.u32 s29, $0xD;
	s31 =	sshrl.u32 s29, $0x2  }
0xb7: {  	s2 =	sand.u32 $0x4000, s30;
	s1 =	sand.u32 $0x1, s29;
	s0 =	sadd.s32 s31, s28  }
0xb8: {  	s1 =	sor.u32 s2, s1;
	s0 =	sshll.u32 s0, $0x11  }
0xb9: {  	s0 =	sor.u32 s0, s1  }
0xba: {  	s0 =	sadd.s32 $0x8F2B, s0  }
0xbb: {  	[sflag:s0] =	ssyncadd.remote.s32 $0x1  }
0xbc: {  	_ =	sfence.sel $0xFFFF  }
0xbd: {  	[dreg:$0x0] =	wrdreg $0xFFFFFFFF;
	(pc) =	sbr.abs _section_cstart, $3  }
0xbe: {  	[dreg:$0x1] =	wrdreg $0xFFFFFFFF  }
0xbf: {  	_ =	task.clear_ibuf [dreg:s5], $0x2FFFF;
	_ =	strace $0x9FFFFFFF  }
0xc0: {  	(tm) =	ssettm $0x7FFFFFFF  }
0xc1: {  	_ =	shalt  }
tec
execute0_lowered:
.L_overlay_start_1:
0x0: {  	(tag) =	ssettag $0x1  }
0x1: {  	s8 =	rddreg [dreg:$0x0]  }
0x2: {  	s2 =	rddreg [dreg:$0x1]  }
0x3: {  	s0 =	rddreg [dreg:$0x2]  }
0x4: {  	s1 =	stileid.u32;
	_ =	strace $0x8000004A;
	s5 =	simm.s32 $0x1  }
0x5: {  	s6 =	simm.s32 $0x500;
	s9 =	simm.s32 $0x1;
	s10 =	simm.s32 $0x3  }
0x6: {  	s13 =	simm.s32 $0x0;
	s12 =	simm.s32 $0x0;
	s4 =	smul.u32 $0x50, s1  }
0x7: {  	s3 =	sadd.s32 $0xA4C00, s8;
	p0 =	slt.u32 s1, $0xA;
	[sflag:s5] =	ssyncpa.u1 $0x0  }
.Ltmp0:
0x8: {  	s6 =	simm.s32 @!p0 $0x0;
	s7 =	ssub.s32 $0x7D0, s4;
	(pc) =	sbr.rel .LBB2_1-.Ltmp0, $4  }
0x9: {  	s9 =	simm.s32 @!p0 $0x0;
	p0 =	sne.s32 s7, s6;
	s7 =	simm.s32 $0x1  }
0xa: {  	s8 =	sadd.s32 $0xA5600, s8;
	s6 =	simm.s32 $0x2;
	s7 =	simm.s32 @!p0 $0x0  }
0xb: {  	s11 =	smov.u32 s4;
	[sflag:s6] =	ssyncpa.u1 $0x0;
	s7 =	sadd.s32 s9, s7  }
0xc: {  	vm0 =	vmmov $0xffff;
	[sflag:s10] =	ssyncpa.u1 $0x0;
	s10 =	simm.s32 $0x0;
	s9 =	sadd.s32 $0x1, s7  }
.LBB2_4:
0xd: {  	v2 =	vnsel vm1, $0x0, v2  }
0xe: {  	vm1 =	vgt.s32 v0, $0x0;
	v2 =	vmin.u32 v2, $0x4E1F  }
0xf: {  	v0 =	vnsel vm1, $0x0, v0  }
0x10: {  	v0 =	vmin.u32 v0, $0x4E1F  }
0x11: {  	[tilespmem:s18], [sflag:$0x1] =	stream.indirect_vreg.gather [hbm4b:s3+s10], $0x1, v1, vm0, $0x4038;
	[tilespmem:$0x140] =	vst v63  }
0x12: {  	(ifvalue) =	ssetifvalue $0x7FFFFFFF  }
0x13: {  	[tilespmem:s15], [sflag:$0x1] =	stream.indirect_vreg.gather [hbm4b:s3+s10], $0x1, v2, vm0, $0x4038;
	[tilespmem:$0x140] =	vst v63  }
0x14: {  	s29 =	sadd.s32 $0x10, s15;
	(ifvalue) =	ssetifvalue $0x7FFFFFFF  }
0x15: {  	[tilespmem:s29], [sflag:$0x1] =	stream.indirect_vreg.gather [hbm4b:s3+s10], $0x1, v0, vm0, $0x4038;
	[tilespmem:$0x140] =	vst v63  }
0x16: {  	_ =	swait.ge [sflag:s5], $0x50  }
0x17: {  	s30 =	sshrl.u32 s13, $0x3;
	[sflag:s5] =	ssyncset.done $0x0  }
0x18: {  	s31 =	sand.u32 $0x7, s13;
	s15 =	sadd.s32 s8, s30;
	[sflag:s5] =	ssyncadd.s32 $0xFFFFFFB0  }
0x19: {  	[hbm4b:s15+s31] =	stream.linear.scatter [tilespmem:s14], [sflag:$0x3], $0x50, $0x38;
	[tilespmem:$0x140] =	vst v63  }
.LBB2_5:
0x1a: {  	s15 =	sadd.s32 $0x500, s11  }
0x1b: {  	p1 =	sgt.s32 s15, $0x7CF  }
0x1c: {  	s15 =	smov.u32 @p1 s4;
	p1 =	sne.s32 s12, s9  }
.Ltmp1:
0x1d: {  	p0 =	slt.u32 s12, $0x2;
	(pc) =	sbr.rel @!p1 .LBB2_6-.Ltmp1, $4  }
0x1e: {  	s14 =	simm.s32 @!p0 $0x3  }
0x1f: {  	_ =	swait.ge @!p0 [sflag:s14], $0x50  }
0x20: {  	s16 =	sadd.s32 $0x1, s12;
	s13 =	smov.u32 s11;
	[sflag:s14] =	ssyncset.done @!p0 $0x0  }
0x21: {  	s12 =	smov.u32 s16;
	s11 =	smov.u32 s15;
	[sflag:s14] =	ssyncadd.s32 @!p0 $0xFFFFFFB0  }
.LBB2_1:
0x22: {  	p0 =	sge.u32 s12, s7  }
0x23: {  	s14 =	sxor.u32 @!p0 $0x1, s12  }
0x24: {  	s14 =	smul.u32 @!p0 $0x140, s14  }
0x25: {  	s31 =	sadd.s32 $0xFFFFFFFF, s12;
	s15 =	sshrl.u32 @!p0 s11, $0x3  }
0x26: {  	s16 =	sand.u32 @!p0 $0x7, s11;
	s15 =	sadd.s32 @!p0 s2, s15;
	s14 =	sshra.s32 @!p0 s14, $0x2  }
0x27: {  	[tilespmem:s14], [sflag:$0x2] =	stream.linear.gather @!p0 [hbm4b:s15+s16], $0x50, $0x38;
	[tilespmem:$0x140] =	vst v63  }
0x28: {  	p0 =	sge.u32 s31, s7  }
.Ltmp2:
0x29: {  	_ = 	snop;
	(pc) =	sbr.rel @p0 .LBB2_5-.Ltmp2, $1  }
0x2a: {  	_ =	sdelay $0x3  }
0x2b: {  	s14 =	sand.u32 $0x1, s12  }
0x2c: {  	_ =	swait.ge [sflag:s6], $0x50;
	p0 =	seq.s32 s14, $0x1;
	s14 =	simm.s32 $0x50  }
0x2d: {  	[sflag:s6] =	ssyncset.done $0x0;
	s14 =	simm.s32 @!p0 $0x0  }
0x2e: {  	[sflag:s6] =	ssyncadd.s32 $0xFFFFFFB0;
	(ifvalue) =	ssetifvalue $0x7FFFFFFF;
	v0 =	vld.msk [tilespmem:s14+$0x0 ss:$0x1], $0xffff;
	_ =	sdelay $0x4  }
0x2f: {  	s15 =	sadd.s32 $0x10, s14;
	vm1 =	vgt.s32 v0, $0x0  }
0x30: {  	v2 =	vld.msk [tilespmem:s15+$0x0 ss:$0x1], $0xffff;
	v1 =	vnsel vm1, $0x0, v0  }
0x31: {  	v1 =	vmin.u32 v1, $0x4E1F;
	_ =	sdelay $0x2  }
0x32: {  	s17 =	simm.s32 $0x20;
	s14 =	sor.u32 $0xA0, s14;
	s16 =	sadd.s32 $0x10, s15  }
0x33: {  	s15 =	sadd.s32 $0x10, s14;
	s18 =	smov.u32 s14;
	v0 =	vld.msk [tilespmem:s16+$0x0 ss:$0x1], $0xffff;
	vm1 =	vgt.s32 v2, $0x0;
	(ifvalue) =	ssetifvalue $0x7FFFFFFF  }
.LBB2_3:
0x34: {  	[tilespmem:s18], [sflag:$0x1] =	stream.indirect_vreg.gather [hbm4b:s3+s10], $0x1, v1, vm0, $0x4038;
	[tilespmem:$0x140] =	vst v63  }
0x35: {  	s17 =	sadd.s32 $0x10, s17  }
0x36: {  	v2 =	vnsel vm1, $0x0, v2;
	p0 =	slt.u32 s17, $0x40  }
.Ltmp3:
0x37: {  	s18 =	smov.u32 s15;
	v1 =	vmin.u32 v2, $0x4E1F;
	(pc) =	sbr.rel @p0 .LBB2_3-.Ltmp3, $3  }
0x38: {  	_ =	sdelay $0x1  }
0x39: {  	s16 =	sadd.s32 $0x10, s16  }
0x3a: {  	vm1 =	vgt.s32 v0, $0x0;
	s15 =	sadd.s32 $0x10, s15;
	v2 =	vmov v0;
	(ifvalue) =	ssetifvalue $0x7FFFFFFF;
	v0 =	vld.msk [tilespmem:s16+$0x0 ss:$0x1], $0xffff  }
.Ltmp4:
0x3b: {  	_ = 	snop;
	(pc) =	sbr.rel .LBB2_4-.Ltmp4, $1  }
0x3c: {  	_ =	sdelay $0x3  }
.LBB2_6:
0x3d: {  	_ =	sfence.sel $0x180000  }
0x3e: {  	s2 =	simm.s32 $0x2;
	[bflag:$0x0] =	sbarrier.arrive $0xFFFF  }
0x3f: {  	s30 =	simm.s32 $0x3;
	[sflag:s2] =	ssyncpa.u1 $0x1  }
0x40: {  	s31 =	simm.s32 $0x1;
	[sflag:s30] =	ssyncpa.u1 $0x1  }
0x41: {  	[sflag:s31] =	ssyncpa.u1 $0x1  }
0x42: {  	p0 =	sne.s32 s1, $0x0;
	_ =	strace $0x9000004A  }
0x43: {  	s0 =	sadd.s32 @!p0 $0x100000, s0;
	[bflag:$0x2] =	sbarrier.arrive $0xFFFF  }
0x44: {  	[sflag:s0] =	ssyncadd.tile.s32 @!p0 $0x1;
	_ =	shalt  }
.Lfunc_end2:
_tile_overlayer_lowered:
.L_overlay_start_2:
0x45: {  	(tag) =	ssettag $0x2  }
0x46: {  	s0 =	rddreg [dreg:$0x0];
	s2 =	stileid.u32  }
0x47: {  	s1 =	rddreg [dreg:$0x1];
	p0 =	sne.s32 s2, $0x0  }
0x48: {  	s3 =	rddreg [dreg:$0x2];
	[bflag:$0x3] =	sbarrier.arrive $0xFFFF;
	s2 =	simm.s32 @!p0 $0x1C01  }
0x49: {  	[timem:s3], [sflag:s2] =	dma.local @!p0 [hbm:s0], s1  }
0x4a: {  	s0 =	simm.s32 @!p0 $0x1  }
0x4b: {  	_ =	swait.ge @!p0 [sflag:s0], s1  }
0x4c: {  	s1 =	ssub.s32 @!p0 $0x0, s1;
	[sflag:s0] =	ssyncset.done @!p0 $0x0  }
0x4d: {  	[sflag:s0] =	ssyncadd.s32 @!p0 s1  }
0x4e: {  	[bflag:$0x3] =	sbarrier.arrive $0xFFFF  }
0x4f: {  	_ =	shalt  }

// kernel: gather_offload_async_start
scs
__scs_entry_jumppad:
0x0: {  	(pc) =	sbr.rel $0x88, $3  }
0x1: {  	(tag) =	ssettag $0x0;
	lr =	simm.s32 $0x1  }
0x2: {  	[smem:$0x3F9B] =	sst lr;
	_ =	strace $0xD0000000  }
0x3: {  	_ = 	snop  }
0x4: {  	_ = 	snop  }
0x5: {  	_ = 	snop  }
0x6: {  	_ = 	snop  }
0x7: {  	_ = 	snop  }
__scs_overlays_trampoline_lowered:
0x8: {  	[smem:$0x3FAA] =	sst s0  }
0x9: {  	[smem:$0x3FAB] =	sst s1  }
0xa: {  	[smem:$0x3FAC] =	sst s2  }
0xb: {  	[smem:$0x3FAD] =	sst s3  }
0xc: {  	[smem:$0x3FAE] =	sst s4  }
0xd: {  	[smem:$0x3FAF] =	sst s5  }
0xe: {  	[smem:$0x3FB0] =	sst s6  }
0xf: {  	[smem:$0x3FB1] =	sst s7  }
0x10: {  	[smem:$0x3FB2] =	sst s8  }
0x11: {  	[smem:$0x3FB3] =	sst s9;
	s0 =	simm.s32 @!p0 $0x0  }
0x12: {  	s1 =	sld [smem:$0x3F99];
	s0 =	simm.s32 @p0 $0x1  }
0x13: {  	[smem:$0x3FB4] =	sst s0;
	s0 =	simm.s32 @!p1 $0x0  }
0x14: {  	s2 =	sld [smem:$0x3F98];
	s0 =	simm.s32 @p1 $0x1  }
0x15: {  	[smem:$0x3FB5] =	sst s0;
	s0 =	simm.s32 @!p2 $0x0  }
0x16: {  	s3 =	sld [smem:$0x3FDB];
	s0 =	simm.s32 @p2 $0x1  }
0x17: {  	s4 =	simm.s32 $0x1BF5;
	[smem:$0x3FB7] =	sst s0  }
0x18: {  	s0 =	sld [smem:$0x3F9A];
	_ =	swait.ge [sflag:s4], $0x0  }
0x19: {  	s7 =	sld [smem:$0x3F9B]  }
0x1a: {  	s8 =	sadd.s32 $0xFFFFE003, lr  }
0x1b: {  	s9 =	sadd.s32 $0xFFFFFEF7, lr;
	s5 =	simm.s32 $0xFFFFFFFF;
	p2 =	slt.u32 s8, $0xFFFFF086  }
0x1c: {  	p1 =	slt.u32 s9, $0xF7A;
	s5 =	simm.s32 @!p2 $0x0  }
0x1d: {  	s5 =	simm.s32 @p1 $0x1;
	p0 =	seq.s32 s7, s2  }
0x1e: {  	s7 =	smul.u32 @!p0 $0xF7A, s2;
	p2 =	seq.s32 @!p0 s5, $0x0  }
0x1f: {  	s9 =	smul.u32 $0xF7A, s1;
	s8 =	simm.s32 @!p0 $0x1BF5;
	p2 =	por !p2, p0  }
0x20: {  	[sflag:s8] =	ssyncset.s32 @!p0 $0xFFFFF086;
	s6 =	sadd.s32 @!p0 s3, s7;
	s7 =	simm.s32 @!p0 $0x108  }
0x21: {  	s3 =	sadd.s32 s3, s9;
	s6 =	sadd.s32 @!p0 $0x88, s6;
	s7 =	simm.s32 @p2 $0x1082  }
0x22: {  	[simem:s7], [sflag:s8] =	dma.local @!p0 [hbm:s6], $0xF7A  }
0x23: {  	s9 =	sor.u32 $0xD0000000, s2;
	s6 =	simm.s32 $0x108;
	_ =	swait.ge @!p0 [sflag:s8], $0x0  }
0x24: {  	s3 =	sadd.s32 $0x88, s3;
	s6 =	simm.s32 @!p1 $0x1082;
	[sflag:s4] =	ssyncset.s32 $0xFFFFF086  }
0x25: {  	[simem:s6], [sflag:s4] =	dma.local [hbm:s3], $0xF7A  }
0x26: {  	[smem:$0x3F9B] =	sst s1;
	(tag) =	ssettag s2;
	_ =	strace s9  }
0x27: {  	s1 =	sld [smem:$0x3FAB]  }
0x28: {  	s2 =	sld [smem:$0x3FAC]  }
0x29: {  	s4 =	sld [smem:$0x3FAE]  }
0x2a: {  	p0 =	seq.s32 s5, $0x0;
	s5 =	sld [smem:$0x3FAF]  }
0x2b: {  	s6 =	sld [smem:$0x3FB0]  }
0x2c: {  	s7 =	sld [smem:$0x3FB1]  }
0x2d: {  	s3 =	simm.s32 $0x108;
	s8 =	sld [smem:$0x3FB2]  }
0x2e: {  	s3 =	simm.s32 @!p0 $0x1082;
	s9 =	sld [smem:$0x3FB3]  }
0x2f: {  	lr =	sadd.s32 s0, s3;
	s0 =	sld [smem:$0x3FAA]  }
0x30: {  	s3 =	sld [smem:$0x3FAD]  }
0x31: {  	[smem:$0x3FB6] =	sst s10  }
0x32: {  	s10 =	sld [smem:$0x3FB4];
	_ =	sdelay $0x3  }
0x33: {  	p0 =	seq.s32 s10, $0x1;
	s10 =	sld [smem:$0x3FB6];
	_ =	sdelay $0x3  }
0x34: {  	[smem:$0x3FB6] =	sst s10  }
0x35: {  	s10 =	sld [smem:$0x3FB5];
	_ =	sdelay $0x3  }
0x36: {  	p1 =	seq.s32 s10, $0x1;
	s10 =	sld [smem:$0x3FB6];
	_ =	sdelay $0x3  }
0x37: {  	[smem:$0x3FB6] =	sst s10  }
0x38: {  	s10 =	sld [smem:$0x3FB7]  }
0x39: {  	_ = 	snop;
	(pc) =	sbr.ind lr, $3  }
0x3a: {  	_ = 	snop  }
0x3b: {  	_ = 	snop  }
0x3c: {  	p2 =	seq.s32 s10, $0x1;
	s10 =	sld [smem:$0x3FB6]  }
0x3d: {  	_ =	shalt  }
0x3e: {  	_ =	shalt  }
0x3f: {  	_ =	shalt  }
0x40: {  	_ =	shalt  }
0x41: {  	_ =	shalt  }
0x42: {  	_ =	shalt  }
0x43: {  	_ =	shalt  }
0x44: {  	_ =	shalt  }
0x45: {  	_ =	shalt  }
0x46: {  	_ =	shalt  }
0x47: {  	_ =	shalt  }
0x48: {  	_ =	shalt  }
0x49: {  	_ =	shalt  }
0x4a: {  	_ =	shalt  }
0x4b: {  	_ =	shalt  }
0x4c: {  	_ =	shalt  }
0x4d: {  	_ =	shalt  }
0x4e: {  	_ =	shalt  }
0x4f: {  	_ =	shalt  }
0x50: {  	_ =	shalt  }
0x51: {  	_ =	shalt  }
0x52: {  	_ =	shalt  }
0x53: {  	_ =	shalt  }
0x54: {  	_ =	shalt  }
0x55: {  	_ =	shalt  }
0x56: {  	_ =	shalt  }
0x57: {  	_ =	shalt  }
0x58: {  	_ =	shalt  }
0x59: {  	_ =	shalt  }
0x5a: {  	_ =	shalt  }
0x5b: {  	_ =	shalt  }
0x5c: {  	_ =	shalt  }
0x5d: {  	_ =	shalt  }
0x5e: {  	_ =	shalt  }
0x5f: {  	_ =	shalt  }
0x60: {  	_ =	shalt  }
0x61: {  	_ =	shalt  }
0x62: {  	_ =	shalt  }
0x63: {  	_ =	shalt  }
0x64: {  	_ =	shalt  }
0x65: {  	_ =	shalt  }
0x66: {  	_ =	shalt  }
0x67: {  	_ =	shalt  }
0x68: {  	_ =	shalt  }
0x69: {  	_ =	shalt  }
0x6a: {  	_ =	shalt  }
0x6b: {  	_ =	shalt  }
0x6c: {  	_ =	shalt  }
0x6d: {  	_ =	shalt  }
0x6e: {  	_ =	shalt  }
0x6f: {  	_ =	shalt  }
0x70: {  	_ =	shalt  }
0x71: {  	_ =	shalt  }
0x72: {  	_ =	shalt  }
0x73: {  	_ =	shalt  }
0x74: {  	_ =	shalt  }
0x75: {  	_ =	shalt  }
0x76: {  	_ =	shalt  }
0x77: {  	_ =	shalt  }
0x78: {  	_ =	shalt  }
0x79: {  	_ =	shalt  }
0x7a: {  	_ =	shalt  }
0x7b: {  	_ =	shalt  }
0x7c: {  	_ =	shalt  }
0x7d: {  	_ =	shalt  }
0x7e: {  	_ =	shalt  }
0x7f: {  	_ =	shalt  }
0x80: {  	_ =	shalt  }
0x81: {  	_ =	shalt  }
0x82: {  	_ =	shalt  }
0x83: {  	_ =	shalt  }
0x84: {  	_ =	shalt  }
0x85: {  	_ =	shalt  }
0x86: {  	_ =	shalt  }
0x87: {  	_ =	shalt  }
.Lfunc_end0:
.L_simem_size_0:
called_computation_lowered:
.L_overlay_start_0:
0x88: {  	s0 =	sld [smem:$0x3FD9]  }
0x89: {  	s1 =	sld [smem:$0x3FFE];
	_ =	sdelay $0x3  }
0x8a: {  	s0 =	sadd.s32 s1, s0  }
0x8b: {  	[smem:$0x3FC2] =	sst s0  }
0x8c: {  	_ = 	snop  }
0x8d: {  	s0 =	sld [smem:$0x3FD0];
	(tm) =	ssettm $0x1  }
0x8e: {  	s16 =	sld [smem:$0x3FFB];
	_ =	sdelay $0x3  }
0x8f: {  	_ =	strace s16  }
0x90: {  	s1 =	sld [smem:$0x3FFC];
	_ =	sdelay $0x3  }
0x91: {  	_ =	strace s1  }
0x92: {  	s1 =	sld [smem:$0x3FFD];
	_ =	sdelay $0x3  }
0x93: {  	_ =	strace s1  }
0x94: {  	_ =	strace $0x8FFFFFFF  }
0x95: {  	s17 =	sld [smem:$0x3FDB];
	_ =	sdelay $0x1  }
0x96: {  	s2 =	simm.s32 $_scs_section_size  }
0x97: {  	s3 =	simm.s32 $_size__tile_overlayer_lowered;
	s4 =	simm.s32 $_tile_overlayer_lowered  }
0x98: {  	s20 =	simm.s32 $0x1BFF;
	s19 =	sshll.u32 s4, $0x1;
	s1 =	sadd.s32 s2, s17  }
0x99: {  	s5 =	simm.s32 $0x0;
	s18 =	sshll.u32 s3, $0x1;
	s3 =	sadd.s32 s19, s1  }
0x9a: {  	[timem:s5], [sflag:s20] =	dma.local [hbm:s3], s18  }
0x9b: {  	_ =	swait.ge [sflag:s20], s18  }
0x9c: {  	s2 =	ssub.s32 $0x0, s18;
	[sflag:s20] =	ssyncset.done $0x0  }
0x9d: {  	[sflag:s20] =	ssyncadd.s32 s2;
	_ =	sdelay $0x1  }
0x9e: {  	s21 =	simm.s32 $0x1B8B  }
0x9f: {  	_ =	swait.ge [sflag:s21], $0x1  }
0xa0: {  	[sflag:s21] =	ssyncset.done $0x0  }
0xa1: {  	s23 =	simm.s32 $0x1B8E;
	s22 =	sld [smem:$0x3FFE];
	[sflag:s21] =	ssyncadd.s32 $0xFFFFFFFF  }
0xa2: {  	s24 =	simm.s32 $execute0_lowered;
	[smem:$0x3FD2] =	sst s23  }
0xa3: {  	s3 =	sshll.u32 s24, $0x1;
	_ =	strace $0x8000004C;
	[dreg:$0x1] =	wrdreg $0xFFFFFFFF  }
0xa4: {  	s25 =	simm.s32 $_size_execute0_lowered;
	s1 =	sadd.s32 s1, s3;
	[dreg:$0x0] =	wrdreg $0x0  }
0xa5: {  	s3 =	sshll.u32 s25, $0x1;
	[dreg:$0x2] =	wrdreg s1  }
0xa6: {  	[dreg:$0x3] =	wrdreg s3  }
0xa7: {  	[dreg:$0x4] =	wrdreg $0xC0  }
0xa8: {  	_ =	task [dreg:s5], $0x5FFFF  }
0xa9: {  	[dreg:$0x1] =	wrdreg $0xFFFFFFFF  }
0xaa: {  	[dreg:$0x0] =	wrdreg $0x60  }
0xab: {  	[dreg:$0x2] =	wrdreg s22  }
0xac: {  	[dreg:$0x3] =	wrdreg s0  }
0xad: {  	[dreg:$0x4] =	wrdreg $0xA  }
0xae: {  	_ =	task.clear_ibuf [dreg:s5], $0x5FFFF;
	_ =	strace $0x9000004C  }
0xaf: {  	s26 =	simm.s32 $0xA;
	_ =	strace $0x8000004E  }
0xb0: {  	_ =	swait.ge [sflag:s26], $0x1  }
0xb1: {  	[sflag:s26] =	ssyncadd.s32 $0xFFFFFFFF  }
0xb2: {  	_ =	strace $0x9000004E  }
0xb3: {  	_ =	sfence  }
0xb4: {  	s28 =	sld [smem:$0x0];
	_ =	sdelay $0x1  }
0xb5: {  	s29 =	srdreg.scid  }
0xb6: {  	s30 =	sshll.u32 s29, $0xD;
	s31 =	sshrl.u32 s29, $0x2  }
0xb7: {  	s2 =	sand.u32 $0x4000, s30;
	s1 =	sand.u32 $0x1, s29;
	s0 =	sadd.s32 s31, s28  }
0xb8: {  	s1 =	sor.u32 s2, s1;
	s0 =	sshll.u32 s0, $0x11  }
0xb9: {  	s0 =	sor.u32 s0, s1  }
0xba: {  	s0 =	sadd.s32 $0x8F2B, s0  }
0xbb: {  	[sflag:s0] =	ssyncadd.remote.s32 $0x1  }
0xbc: {  	_ =	sfence.sel $0xFFFF  }
0xbd: {  	[dreg:$0x0] =	wrdreg $0xFFFFFFFF;
	(pc) =	sbr.abs _section_cstart, $3  }
0xbe: {  	[dreg:$0x1] =	wrdreg $0xFFFFFFFF  }
0xbf: {  	_ =	task.clear_ibuf [dreg:s5], $0x2FFFF;
	_ =	strace $0x9FFFFFFF  }
0xc0: {  	(tm) =	ssettm $0x7FFFFFFF  }
0xc1: {  	_ =	shalt  }
tec
execute0_lowered:
.L_overlay_start_1:
0x0: {  	(tag) =	ssettag $0x1  }
0x1: {  	s0 =	stileid.u32  }
0x2: {  	s1 =	smin.u32 s0, $0x9  }
0x3: {  	s1 =	sadd.s32 s0, s1  }
0x4: {  	s2 =	simm.s32 $0xA0;
	p0 =	slt.u32 s0, $0x9;
	s1 =	smul.u32 $0x50, s1  }
0x5: {  	s2 =	simm.s32 @!p0 $0x50  }
0x6: {  	s2 =	sadd.s32 s2, s1  }
0x7: {  	s3 =	smin.u32 s2, $0x7D0  }
0x8: {  	s7 =	ssub.s32 s3, s1  }
0x9: {  	p0 =	sgt.s32 s7, $0x0  }
0xa: {  	s7 =	simm.s32 @!p0 $0x0  }
0xb: {  	s9 =	rddreg [dreg:$0x0];
	s31 =	smul.u32 $0xCCCD, s7  }
0xc: {  	s4 =	rddreg [dreg:$0x1];
	s6 =	simm.s32 $0x1  }
0xd: {  	s11 =	simm.s32 $0x3;
	s13 =	simm.s32 $0x0;
	s8 =	sshrl.u32 s31, $0x16  }
0xe: {  	s12 =	simm.s32 $0x0;
	s5 =	sadd.s32 $0x4E200, s9;
	s10 =	smul.u32 $0x50, s8  }
.Ltmp0:
0xf: {  	s9 =	sadd.s32 $0xA5800, s9;
	s2 =	rddreg [dreg:$0x2];
	(pc) =	sbr.rel .LBB2_1-.Ltmp0, $4  }
0x10: {  	_ =	strace $0x8000004D;
	p0 =	sne.s32 s7, s10;
	s10 =	simm.s32 $0x1  }
0x11: {  	[sflag:s6] =	ssyncpa.u1 $0x0;
	s7 =	simm.s32 $0x2;
	s10 =	simm.s32 @!p0 $0x0  }
0x12: {  	[sflag:s7] =	ssyncpa.u1 $0x0;
	p0 =	por $0x0, $0x0;
	s8 =	sadd.s32 s8, s10  }
0x13: {  	vm0 =	vmmov $0xff;
	vm1 =	vcmask $0x3F20;
	[sflag:s11] =	ssyncpa.u1 $0x0;
	s11 =	smov.u32 s1;
	s10 =	sadd.s32 $0x1, s8  }
.LBB2_6:
0x14: {  	[hbm:s17] =	stream.linear.scatter [tilespmem:s14], [sflag:$0x3], $0x400, $0x38;
	[tilespmem:$0x50A0] =	vst v63  }
.LBB2_7:
0x15: {  	s13 =	sadd.s32 $0x50, s11  }
0x16: {  	s15 =	smov.u32 s1;
	p2 =	slt.s32 s13, s3  }
0x17: {  	s15 =	smov.u32 @p2 s13;
	p2 =	sne.s32 s12, s10  }
.Ltmp1:
0x18: {  	p1 =	slt.u32 s12, $0x2;
	(pc) =	sbr.rel @!p2 .LBB2_8-.Ltmp1, $4  }
0x19: {  	s14 =	simm.s32 @!p1 $0x3  }
0x1a: {  	s16 =	sadd.s32 $0x1, s12;
	_ =	swait.ge @!p1 [sflag:s14], $0x2800  }
0x1b: {  	p0 =	por !p0, !p0;
	s13 =	smov.u32 s11;
	[sflag:s14] =	ssyncset.done @!p1 $0x0  }
0x1c: {  	s12 =	smov.u32 s16;
	s11 =	smov.u32 s15;
	[sflag:s14] =	ssyncadd.s32 @!p1 $0xFFFFD800  }
.LBB2_1:
0x1d: {  	p1 =	sge.u32 s12, s8  }
0x1e: {  	s14 =	sxor.u32 @!p1 $0xFFFFFFFF, s12  }
0x1f: {  	s14 =	sand.u32 @!p1 $0x1, s14  }
0x20: {  	s14 =	smul.u32 @!p1 $0x140, s14  }
0x21: {  	s31 =	sadd.s32 $0xFFFFFFFF, s12;
	s15 =	sshrl.u32 @!p1 s11, $0x3  }
0x22: {  	s16 =	sand.u32 @!p1 $0x7, s11;
	s15 =	sadd.s32 @!p1 s4, s15;
	s14 =	sshrl.u32 @!p1 s14, $0x2  }
0x23: {  	[tilespmem:s14], [sflag:$0x2] =	stream.linear.gather @!p1 [hbm4b:s15+s16], $0x50, $0x38;
	[tilespmem:$0x50A0] =	vst v63  }
0x24: {  	p1 =	sge.u32 s31, s8  }
.Ltmp2:
0x25: {  	_ = 	snop;
	(pc) =	sbr.rel @p1 .LBB2_7-.Ltmp2, $1  }
0x26: {  	_ =	sdelay $0x3  }
0x27: {  	s14 =	simm.s32 $0x1  }
0x28: {  	s14 =	simm.s32 @!p0 $0x0  }
0x29: {  	s15 =	smul.u32 $0x140, s14  }
0x2a: {  	_ =	swait.ge [sflag:s7], $0x50  }
0x2b: {  	[sflag:s7] =	ssyncset.done $0x0;
	s16 =	sshrl.u32 s15, $0x2  }
0x2c: {  	[sflag:s7] =	ssyncadd.s32 $0xFFFFFFB0;
	s15 =	sadd.s32 $0x0, s16  }
0x2d: {  	v0 =	vld.msk [tilespmem:s15+$0x0 ss:$0x1], $0xffff;
	_ =	sdelay $0x4  }
0x2e: {  	vm2 =	vgt.s32 v0, $0x0  }
0x2f: {  	v0 =	vnsel vm2, $0x0, v0  }
0x30: {  	v0 =	vmin.u32 v0, $0x4E1F  }
0x31: {  	v0 =	vshll.u32 v0, $0x4  }
0x32: {  	s14 =	smul.u32 $0xA000, s14;
	_ =	sdelay $0x1  }
0x33: {  	s14 =	sshrl.u32 s14, $0x2  }
0x34: {  	s14 =	sor.u32 $0xA0, s14  }
0x35: {  	[tilespmem:s14], [sflag:$0x1] =	stream.indirect_vreg.gather [hbm:s5], $0x80, v0, vm0, $0x38;
	[tilespmem:$0x50A0] =	vst v63  }
0x36: {  	s17 =	sadd.s32 $0x10, s16;
	s15 =	sadd.s32 $0x400, s14  }
0x37: {  	[tilespmem:s15], [sflag:$0x1] =	stream.indirect_vreg.gather [hbm:s5], $0x80, v0, vm1, $0x38;
	[tilespmem:$0x50A0] =	vst v63  }
0x38: {  	s18 =	simm.s32 $0x80;
	v0 =	vld.msk [tilespmem:s17+$0x0 ss:$0x1], $0xffff;
	s17 =	smov.u32 s14  }
.LBB2_3:
0x39: {  	p1 =	sne.s32 s18, $0x100;
	_ =	sdelay $0x4  }
0x3a: {  	vm2 =	vgt.s32 v0, $0x0  }
0x3b: {  	v0 =	vnsel vm2, $0x0, v0  }
0x3c: {  	v0 =	vmin.u32 v0, $0x4E1F  }
0x3d: {  	v0 =	vshll.u32 v0, $0x4;
	_ =	sdelay $0x3  }
.Ltmp3:
0x3e: {  	s19 =	sshra.s32 s18, $0x2;
	s17 =	sadd.s32 $0x800, s17;
	(pc) =	sbr.rel @p1 .LBB2_3-.Ltmp3, $4  }
0x3f: {  	[tilespmem:s17], [sflag:$0x1] =	stream.indirect_vreg.gather [hbm:s5], $0x80, v0, vm0, $0x38;
	[tilespmem:$0x50A0] =	vst v63  }
0x40: {  	s19 =	sadd.s32 s19, s16;
	s20 =	sadd.s32 $0x400, s17  }
0x41: {  	[tilespmem:s20], [sflag:$0x1] =	stream.indirect_vreg.gather [hbm:s5], $0x80, v0, vm1, $0x38;
	[tilespmem:$0x50A0] =	vst v63  }
0x42: {  	s18 =	sadd.s32 $0x40, s18;
	v0 =	vld.msk [tilespmem:s19+$0x0 ss:$0x1], $0xffff  }
0x43: {  	_ =	sdelay $0x3  }
0x44: {  	vm2 =	vgt.s32 v0, $0x0  }
0x45: {  	v0 =	vnsel vm2, $0x0, v0  }
0x46: {  	v0 =	vmin.u32 v0, $0x4E1F  }
0x47: {  	v0 =	vshll.u32 v0, $0x4;
	_ =	sdelay $0x3  }
0x48: {  	s16 =	sadd.s32 $0x800, s17  }
0x49: {  	[tilespmem:s16], [sflag:$0x1] =	stream.indirect_vreg.gather [hbm:s5], $0x80, v0, vm0, $0x38;
	[tilespmem:$0x50A0] =	vst v63  }
0x4a: {  	s16 =	sadd.s32 $0x400, s16  }
0x4b: {  	[tilespmem:s16], [sflag:$0x1] =	stream.indirect_vreg.gather [hbm:s5], $0x80, v0, vm1, $0x38;
	[tilespmem:$0x50A0] =	vst v63  }
0x4c: {  	s13 =	sshll.u32 s13, $0x4;
	_ =	swait.ge [sflag:s6], $0x2800  }
0x4d: {  	s13 =	sadd.s32 s13, s9;
	[sflag:s6] =	ssyncset.done $0x0  }
0x4e: {  	s17 =	sadd.s32 $0x0, s13;
	s16 =	simm.s32 $0x80;
	[sflag:s6] =	ssyncadd.s32 $0xFFFFD800  }
.LBB2_5:
0x4f: {  	[hbm:s17] =	stream.linear.scatter [tilespmem:s14], [sflag:$0x3], $0x400, $0x38;
	[tilespmem:$0x50A0] =	vst v63  }
0x50: {  	s17 =	smov.u32 s16;
	s14 =	smov.u32 s15;
	p1 =	sne.s32 s16, $0x480  }
.Ltmp4:
0x51: {  	s16 =	sadd.s32 $0x80, s16;
	(pc) =	sbr.rel @p1 .LBB2_5-.Ltmp4, $2  }
0x52: {  	_ =	sdelay $0x2  }
0x53: {  	s15 =	sadd.s32 $0x400, s15;
	s17 =	sadd.s32 s17, s13  }
.Ltmp5:
0x54: {  	_ = 	snop;
	(pc) =	sbr.rel .LBB2_6-.Ltmp5, $1  }
0x55: {  	_ =	sdelay $0x3  }
.LBB2_8:
0x56: {  	_ =	sfence.sel $0x180000  }
0x57: {  	s1 =	simm.s32 $0x2;
	[bflag:$0x0] =	sbarrier.arrive $0xFFFF  }
0x58: {  	s30 =	simm.s32 $0x3;
	[sflag:s1] =	ssyncpa.u1 $0x1  }
0x59: {  	s31 =	simm.s32 $0x1;
	[sflag:s30] =	ssyncpa.u1 $0x1  }
0x5a: {  	[sflag:s31] =	ssyncpa.u1 $0x1  }
0x5b: {  	p0 =	sne.s32 s0, $0x0;
	_ =	strace $0x9000004D  }
0x5c: {  	s0 =	sadd.s32 @!p0 $0x100000, s2;
	[bflag:$0x2] =	sbarrier.arrive $0xFFFF  }
0x5d: {  	[sflag:s0] =	ssyncadd.tile.s32 @!p0 $0x1;
	_ =	shalt  }
.Lfunc_end2:
_tile_overlayer_lowered:
.L_overlay_start_2:
0x5e: {  	(tag) =	ssettag $0x2  }
0x5f: {  	s0 =	rddreg [dreg:$0x0];
	s2 =	stileid.u32  }
0x60: {  	s1 =	rddreg [dreg:$0x1];
	p0 =	sne.s32 s2, $0x0  }
0x61: {  	s3 =	rddreg [dreg:$0x2];
	[bflag:$0x3] =	sbarrier.arrive $0xFFFF;
	s2 =	simm.s32 @!p0 $0x1C01  }
0x62: {  	[timem:s3], [sflag:s2] =	dma.local @!p0 [hbm:s0], s1  }
0x63: {  	s0 =	simm.s32 @!p0 $0x1  }
0x64: {  	_ =	swait.ge @!p0 [sflag:s0], s1  }
0x65: {  	s1 =	ssub.s32 @!p0 $0x0, s1;
	[sflag:s0] =	ssyncset.done @!p0 $0x0  }
0x66: {  	[sflag:s0] =	ssyncadd.s32 @!p0 s1  }
0x67: {  	[bflag:$0x3] =	sbarrier.arrive $0xFFFF  }
0x68: {  	_ =	shalt  }

</sc_bundles>
